<compile_context>
chip_gen: v7x
topology: tpu7x:2x2x1
jax: 0.10.2.dev20260603
libtpu: 0.0.44.dev20260713+nightly
codegen_flags: <defaults>
</compile_context>

<pallas_src>
import functools

import jax
import jax.numpy as jnp
from jax import lax
from jax.experimental import pallas as pl
from jax.experimental.pallas import tpu as pltpu
from jax.experimental.pallas import tpu_sc as plsc

R = 32
TILE = 512
S = TILE // R

_SC_WORKERS = 32
_SC_CHUNK = 128


def _sc_permute_rows(table, gidx3, didx3, out_rows):
    d = table.shape[1]
    nwk, nch, ck = gidx3.shape
    per_w = nch * ck
    mesh = plsc.VectorSubcoreMesh(core_axis_name="c", subcore_axis_name="s")

    @functools.partial(
        pl.kernel,
        mesh=mesh,
        out_type=jax.ShapeDtypeStruct((out_rows, d), jnp.float32),
        scratch_types=[
            pltpu.VMEM((nch, ck), jnp.int32),
            pltpu.VMEM((nch, ck), jnp.int32),
            pltpu.VMEM((per_w, d), jnp.float32),
            pltpu.SemaphoreType.DMA,
            pltpu.SemaphoreType.DMA,
        ],
    )
    def permute_kernel(table_hbm, gidx_hbm, didx_hbm, out_hbm,
                       gi_v, di_v, rows_v, gsem, ssem):
        wid = lax.axis_index("s") * 2 + lax.axis_index("c")
        pltpu.sync_copy(gidx_hbm.at[wid], gi_v)
        pltpu.sync_copy(didx_hbm.at[wid], di_v)
        gathers = [
            pltpu.async_copy(
                table_hbm.at[gi_v.at[j]],
                rows_v.at[pl.ds(j * ck, ck)],
                gsem,
            )
            for j in range(nch)
        ]
        for c in gathers:
            c.wait()
        scatters = [
            pltpu.async_copy(
                rows_v.at[pl.ds(j * ck, ck)],
                out_hbm.at[di_v.at[j]],
                ssem,
            )
            for j in range(nch)
        ]
        for c in scatters:
            c.wait()

    return permute_kernel(table, gidx3, didx3)


def _mm_body(sw_ref, x_ref, *w_and_out):
    w_refs = w_and_out[:S]
    o_ref = w_and_out[S]
    for k in range(S):
        xblk = x_ref[pl.ds(k * R, R), :]
        o_ref[pl.ds(k * R, R), :] = lax.dot_general(
            xblk,
            w_refs[k][0],
            (((1,), (1,)), ((), ())),
            preferred_element_type=jnp.float32,
        )


def _tc_matmul_padded(slot_w, x_pad, weight):
    pad_n, l = x_pad.shape
    grid = (pad_n // TILE,)

    def w_map(i, sw, k):
        return (sw[i * S + k], 0, 0)

    grid_spec = pltpu.PrefetchScalarGridSpec(
        num_scalar_prefetch=1,
        grid=grid,
        in_specs=[pl.BlockSpec((TILE, l), lambda i, sw: (i, 0))]
        + [
            pl.BlockSpec((1, l, l), functools.partial(w_map, k=k))
            for k in range(S)
        ],
        out_specs=pl.BlockSpec((TILE, l), lambda i, sw: (i, 0)),
    )
    return pl.pallas_call(
        _mm_body,
        grid_spec=grid_spec,
        out_shape=jax.ShapeDtypeStruct((pad_n, l), jnp.float32),
    )(slot_w, x_pad, *([weight] * S))


def kernel(outputs, workers, weight):
    b, l = outputs.shape
    nw = weight.shape[0]
    workers = workers.astype(jnp.int32)

    pad_n = b + R * nw
    pad_n = ((pad_n + _SC_WORKERS * _SC_CHUNK - 1)
             // (_SC_WORKERS * _SC_CHUNK)) * (_SC_WORKERS * _SC_CHUNK)

    iota = jnp.arange(b, dtype=jnp.int32)
    sw, order = lax.sort_key_val(workers, iota)
    prev_w = jnp.concatenate([jnp.full((1,), -1, jnp.int32), sw[:-1]])
    is_start = sw != prev_w
    start_pos = lax.cummax(jnp.where(is_start, iota, 0))
    prev_start = jnp.concatenate([jnp.zeros((1,), jnp.int32), start_pos[:-1]])
    len_prev = iota - prev_start
    gap = jnp.where(is_start & (iota > 0), (-len_prev) % R, 0)
    p = iota + jnp.cumsum(gap, dtype=jnp.int32)
    slot_w = jnp.zeros(pad_n // R, jnp.int32).at[p // R].max(sw)

    shape3 = (_SC_WORKERS, b // (_SC_WORKERS * _SC_CHUNK), _SC_CHUNK)
    order3 = order.reshape(shape3)
    p3 = p.reshape(shape3)

    x_pad = _sc_permute_rows(outputs, order3, p3, pad_n)
    out_pad = _tc_matmul_padded(slot_w, x_pad, weight)
    return _sc_permute_rows(out_pad, p3, order3, b)

# --- scband reference (transcript-rebuilt; emitter-appended) ---
"""Pipeline reference for scband-crowd-layer-87325275062814 (READ-ONLY COPY).

The authoritative reference and input builder live on the scoring server;
editing this copy changes nothing except your own understanding.
"""

import jax, jax.numpy as jnp
import numpy as np

NUM_LABELS = 128
N_WORKERS = 1000
BATCH = 16384


def setup_inputs(seed: int = 0) -> dict:
    key = jax.random.key(seed)
    k1, k2 = jax.random.split(key)
    outputs = jax.random.normal(k1, (BATCH, NUM_LABELS), dtype=jnp.float32)
    workers = jax.random.randint(k2, (BATCH,), 0, N_WORKERS, dtype=jnp.int64 if jax.config.jax_enable_x64 else jnp.int32)
    # CrowdLayer 'mw' weight: batch of identity confusion matrices, one per worker
    weight = jnp.tile(jnp.eye(NUM_LABELS, dtype=jnp.float32)[None, :, :], (N_WORKERS, 1, 1))
    return {"outputs": outputs, "workers": workers, "weight": weight}


def reference(outputs, workers, weight):
    # crowd_layer_mw: einsum('lij,ljk->lik', weight[workers], outputs.unsqueeze(-1)).squeeze()
    gathered = jnp.take(weight, workers, axis=0)  # (B, L, L)
    out = jnp.einsum('lij,ljk->lik', gathered, outputs[:, :, None])
    return jnp.squeeze(out, axis=-1)

if __name__ == "__main__":
    import jax
    _d = setup_inputs()
    print(jax.jit(kernel)(*tuple(_d.values())))

</pallas_src>

<mosaic_0001>
#map = affine_map<(d0, d1) -> (0, 0)>
#map1 = affine_map<(d0, d1) -> (0, 0, 0)>
module attributes {stable_mosaic.version = 14 : i64} {
  func.func @permute_kernel(%arg0: i32, %arg1: i32, %arg2: memref<49152x128xf32, #tpu.memory_space<hbm>>, %arg3: memref<32x4x128xi32, #tpu.memory_space<hbm>>, %arg4: memref<32x4x128xi32, #tpu.memory_space<hbm>>, %arg5: memref<16384x128xf32, #tpu.memory_space<hbm>>, %arg6: memref<4x128xi32, #tpu.memory_space<vmem>>, %arg7: memref<4x128xi32, #tpu.memory_space<vmem>>, %arg8: memref<512x128xf32, #tpu.memory_space<vmem>>, %arg9: memref<!tpu.dma_semaphore, #tpu.memory_space<semaphore_mem>>, %arg10: memref<!tpu.dma_semaphore, #tpu.memory_space<semaphore_mem>>) attributes {dimension_semantics = [#tpu.dimension_semantics<core_parallel>, #tpu.dimension_semantics<subcore_parallel>], iteration_bounds = array<i64: 2, 16>, scalar_prefetch = 0 : i64, scratch_operands = 5 : i64, tpu.core_type = #tpu.core_type<sc_vector_subcore>, window_params = [{transform_indices = #map}, {transform_indices = #map1}, {transform_indices = #map1}, {transform_indices = #map}]} {
    %mul3A = arith.constant 2 : i32
    %mul3A_0 = arith.muli %arg1, %mul3A : i32
    %add3A = arith.addi %mul3A_0, %arg0 : i32
    "tpu.region"() ({
      %run_scoped3A = tpu.sem_alloc : memref<!tpu.dma_semaphore, #tpu.memory_space<semaphore_mem>>
      %dma_start3A_159 = arith.constant 0 : i32
      %dma_start3A_160 = arith.constant 0 : i32
      %dma_start3A_161 = tpu.memref_slice %arg3[%add3A, %dma_start3A_159, %dma_start3A_160] : memref<32x4x128xi32, #tpu.memory_space<hbm>> -> memref<1x4x128xi32, #tpu.memory_space<hbm>>
      %dma_start3A_162 = tpu.memref_squeeze %dma_start3A_161 : memref<1x4x128xi32, #tpu.memory_space<hbm>> -> memref<4x128xi32, #tpu.memory_space<hbm>>
      %dma_start3A_163 = arith.constant 0 : i32
      %dma_start3A_164 = arith.constant 0 : i32
      %dma_start3A_165 = tpu.memref_slice %arg3[%add3A, %dma_start3A_163, %dma_start3A_164] : memref<32x4x128xi32, #tpu.memory_space<hbm>> -> memref<1x4x128xi32, #tpu.memory_space<hbm>>
      %dma_start3A_166 = tpu.memref_squeeze %dma_start3A_165 : memref<1x4x128xi32, #tpu.memory_space<hbm>> -> memref<4x128xi32, #tpu.memory_space<hbm>>
      tpu.enqueue_dma source(%dma_start3A_166 : memref<4x128xi32, #tpu.memory_space<hbm>>) target(%arg6 : memref<4x128xi32, #tpu.memory_space<vmem>>) target_semaphore(%run_scoped3A : memref<!tpu.dma_semaphore, #tpu.memory_space<semaphore_mem>>)
      %dma_wait3A_167 = arith.constant 0 : i32
      %dma_wait3A_168 = arith.constant 0 : i32
      %dma_wait3A_169 = tpu.memref_slice %arg3[%add3A, %dma_wait3A_167, %dma_wait3A_168] : memref<32x4x128xi32, #tpu.memory_space<hbm>> -> memref<1x4x128xi32, #tpu.memory_space<hbm>>
      %dma_wait3A_170 = tpu.memref_squeeze %dma_wait3A_169 : memref<1x4x128xi32, #tpu.memory_space<hbm>> -> memref<4x128xi32, #tpu.memory_space<hbm>>
      %dma_wait3A_171 = arith.constant 0 : i32
      %dma_wait3A_172 = arith.constant 0 : i32
      %dma_wait3A_173 = tpu.memref_slice %arg3[%add3A, %dma_wait3A_171, %dma_wait3A_172] : memref<32x4x128xi32, #tpu.memory_space<hbm>> -> memref<1x4x128xi32, #tpu.memory_space<hbm>>
      %dma_wait3A_174 = tpu.memref_squeeze %dma_wait3A_173 : memref<1x4x128xi32, #tpu.memory_space<hbm>> -> memref<4x128xi32, #tpu.memory_space<hbm>>
      tpu.wait_dma2 semaphore(%run_scoped3A : memref<!tpu.dma_semaphore, #tpu.memory_space<semaphore_mem>>) src(%dma_wait3A_174 : memref<4x128xi32, #tpu.memory_space<hbm>>) dst(%arg6 : memref<4x128xi32, #tpu.memory_space<vmem>>)
      tpu.yield
    }) : () -> ()
    "tpu.region"() ({
      %run_scoped3A = tpu.sem_alloc : memref<!tpu.dma_semaphore, #tpu.memory_space<semaphore_mem>>
      %dma_start3A_159 = arith.constant 0 : i32
      %dma_start3A_160 = arith.constant 0 : i32
      %dma_start3A_161 = tpu.memref_slice %arg4[%add3A, %dma_start3A_159, %dma_start3A_160] : memref<32x4x128xi32, #tpu.memory_space<hbm>> -> memref<1x4x128xi32, #tpu.memory_space<hbm>>
      %dma_start3A_162 = tpu.memref_squeeze %dma_start3A_161 : memref<1x4x128xi32, #tpu.memory_space<hbm>> -> memref<4x128xi32, #tpu.memory_space<hbm>>
      %dma_start3A_163 = arith.constant 0 : i32
      %dma_start3A_164 = arith.constant 0 : i32
      %dma_start3A_165 = tpu.memref_slice %arg4[%add3A, %dma_start3A_163, %dma_start3A_164] : memref<32x4x128xi32, #tpu.memory_space<hbm>> -> memref<1x4x128xi32, #tpu.memory_space<hbm>>
      %dma_start3A_166 = tpu.memref_squeeze %dma_start3A_165 : memref<1x4x128xi32, #tpu.memory_space<hbm>> -> memref<4x128xi32, #tpu.memory_space<hbm>>
      tpu.enqueue_dma source(%dma_start3A_166 : memref<4x128xi32, #tpu.memory_space<hbm>>) target(%arg7 : memref<4x128xi32, #tpu.memory_space<vmem>>) target_semaphore(%run_scoped3A : memref<!tpu.dma_semaphore, #tpu.memory_space<semaphore_mem>>)
      %dma_wait3A_167 = arith.constant 0 : i32
      %dma_wait3A_168 = arith.constant 0 : i32
      %dma_wait3A_169 = tpu.memref_slice %arg4[%add3A, %dma_wait3A_167, %dma_wait3A_168] : memref<32x4x128xi32, #tpu.memory_space<hbm>> -> memref<1x4x128xi32, #tpu.memory_space<hbm>>
      %dma_wait3A_170 = tpu.memref_squeeze %dma_wait3A_169 : memref<1x4x128xi32, #tpu.memory_space<hbm>> -> memref<4x128xi32, #tpu.memory_space<hbm>>
      %dma_wait3A_171 = arith.constant 0 : i32
      %dma_wait3A_172 = arith.constant 0 : i32
      %dma_wait3A_173 = tpu.memref_slice %arg4[%add3A, %dma_wait3A_171, %dma_wait3A_172] : memref<32x4x128xi32, #tpu.memory_space<hbm>> -> memref<1x4x128xi32, #tpu.memory_space<hbm>>
      %dma_wait3A_174 = tpu.memref_squeeze %dma_wait3A_173 : memref<1x4x128xi32, #tpu.memory_space<hbm>> -> memref<4x128xi32, #tpu.memory_space<hbm>>
      tpu.wait_dma2 semaphore(%run_scoped3A : memref<!tpu.dma_semaphore, #tpu.memory_space<semaphore_mem>>) src(%dma_wait3A_174 : memref<4x128xi32, #tpu.memory_space<hbm>>) dst(%arg7 : memref<4x128xi32, #tpu.memory_space<vmem>>)
      tpu.yield
    }) : () -> ()
    %dma_start3A = arith.constant 0 : i32
    %dma_start3A_1 = arith.constant 0 : i32
    %dma_start3A_2 = arith.constant 0 : i32
    %dma_start3A_3 = tpu.memref_slice %arg8[%dma_start3A_1, %dma_start3A_2] : memref<512x128xf32, #tpu.memory_space<vmem>> -> memref<128x128xf32, #tpu.memory_space<vmem>>
    %dma_start3A_4 = arith.constant 0 : i32
    %dma_start3A_5 = tpu.memref_slice %arg6[%dma_start3A, %dma_start3A_4] : memref<4x128xi32, #tpu.memory_space<vmem>> -> memref<1x128xi32, #tpu.memory_space<vmem>>
    %dma_start3A_6 = tpu.memref_squeeze %dma_start3A_5 : memref<1x128xi32, #tpu.memory_space<vmem>> -> memref<128xi32, #tpu.memory_space<vmem>>
    %dma_start3A_7 = arith.constant 0 : i32
    %dma_start3A_8 = arith.constant 0 : i32
    %dma_start3A_9 = tpu.memref_slice %arg2[%dma_start3A_7, %dma_start3A_8] : memref<49152x128xf32, #tpu.memory_space<hbm>> -> memref<49152x128xf32, #tpu.memory_space<hbm>>
    tpu.enqueue_indirect_dma source(%dma_start3A_9 : memref<49152x128xf32, #tpu.memory_space<hbm>>) target(%dma_start3A_3 : memref<128x128xf32, #tpu.memory_space<vmem>>) offsets(%dma_start3A_6 : memref<128xi32, #tpu.memory_space<vmem>>) semaphore(%arg9 : memref<!tpu.dma_semaphore, #tpu.memory_space<semaphore_mem>>)
    %dma_start3A_10 = arith.constant 1 : i32
    %dma_start3A_11 = arith.constant 128 : i32
    %dma_start3A_12 = arith.constant 0 : i32
    %dma_start3A_13 = tpu.memref_slice %arg8[%dma_start3A_11, %dma_start3A_12] : memref<512x128xf32, #tpu.memory_space<vmem>> -> memref<128x128xf32, #tpu.memory_space<vmem>>
    %dma_start3A_14 = arith.constant 0 : i32
    %dma_start3A_15 = tpu.memref_slice %arg6[%dma_start3A_10, %dma_start3A_14] : memref<4x128xi32, #tpu.memory_space<vmem>> -> memref<1x128xi32, #tpu.memory_space<vmem>>
    %dma_start3A_16 = tpu.memref_squeeze %dma_start3A_15 : memref<1x128xi32, #tpu.memory_space<vmem>> -> memref<128xi32, #tpu.memory_space<vmem>>
    %dma_start3A_17 = arith.constant 0 : i32
    %dma_start3A_18 = arith.constant 0 : i32
    %dma_start3A_19 = tpu.memref_slice %arg2[%dma_start3A_17, %dma_start3A_18] : memref<49152x128xf32, #tpu.memory_space<hbm>> -> memref<49152x128xf32, #tpu.memory_space<hbm>>
    tpu.enqueue_indirect_dma source(%dma_start3A_19 : memref<49152x128xf32, #tpu.memory_space<hbm>>) target(%dma_start3A_13 : memref<128x128xf32, #tpu.memory_space<vmem>>) offsets(%dma_start3A_16 : memref<128xi32, #tpu.memory_space<vmem>>) semaphore(%arg9 : memref<!tpu.dma_semaphore, #tpu.memory_space<semaphore_mem>>)
    %dma_start3A_20 = arith.constant 2 : i32
    %dma_start3A_21 = arith.constant 256 : i32
    %dma_start3A_22 = arith.constant 0 : i32
    %dma_start3A_23 = tpu.memref_slice %arg8[%dma_start3A_21, %dma_start3A_22] : memref<512x128xf32, #tpu.memory_space<vmem>> -> memref<128x128xf32, #tpu.memory_space<vmem>>
    %dma_start3A_24 = arith.constant 0 : i32
    %dma_start3A_25 = tpu.memref_slice %arg6[%dma_start3A_20, %dma_start3A_24] : memref<4x128xi32, #tpu.memory_space<vmem>> -> memref<1x128xi32, #tpu.memory_space<vmem>>
    %dma_start3A_26 = tpu.memref_squeeze %dma_start3A_25 : memref<1x128xi32, #tpu.memory_space<vmem>> -> memref<128xi32, #tpu.memory_space<vmem>>
    %dma_start3A_27 = arith.constant 0 : i32
    %dma_start3A_28 = arith.constant 0 : i32
    %dma_start3A_29 = tpu.memref_slice %arg2[%dma_start3A_27, %dma_start3A_28] : memref<49152x128xf32, #tpu.memory_space<hbm>> -> memref<49152x128xf32, #tpu.memory_space<hbm>>
    tpu.enqueue_indirect_dma source(%dma_start3A_29 : memref<49152x128xf32, #tpu.memory_space<hbm>>) target(%dma_start3A_23 : memref<128x128xf32, #tpu.memory_space<vmem>>) offsets(%dma_start3A_26 : memref<128xi32, #tpu.memory_space<vmem>>) semaphore(%arg9 : memref<!tpu.dma_semaphore, #tpu.memory_space<semaphore_mem>>)
    %dma_start3A_30 = arith.constant 3 : i32
    %dma_start3A_31 = arith.constant 384 : i32
    %dma_start3A_32 = arith.constant 0 : i32
    %dma_start3A_33 = tpu.memref_slice %arg8[%dma_start3A_31, %dma_start3A_32] : memref<512x128xf32, #tpu.memory_space<vmem>> -> memref<128x128xf32, #tpu.memory_space<vmem>>
    %dma_start3A_34 = arith.constant 0 : i32
    %dma_start3A_35 = tpu.memref_slice %arg6[%dma_start3A_30, %dma_start3A_34] : memref<4x128xi32, #tpu.memory_space<vmem>> -> memref<1x128xi32, #tpu.memory_space<vmem>>
    %dma_start3A_36 = tpu.memref_squeeze %dma_start3A_35 : memref<1x128xi32, #tpu.memory_space<vmem>> -> memref<128xi32, #tpu.memory_space<vmem>>
    %dma_start3A_37 = arith.constant 0 : i32
    %dma_start3A_38 = arith.constant 0 : i32
    %dma_start3A_39 = tpu.memref_slice %arg2[%dma_start3A_37, %dma_start3A_38] : memref<49152x128xf32, #tpu.memory_space<hbm>> -> memref<49152x128xf32, #tpu.memory_space<hbm>>
    tpu.enqueue_indirect_dma source(%dma_start3A_39 : memref<49152x128xf32, #tpu.memory_space<hbm>>) target(%dma_start3A_33 : memref<128x128xf32, #tpu.memory_space<vmem>>) offsets(%dma_start3A_36 : memref<128xi32, #tpu.memory_space<vmem>>) semaphore(%arg9 : memref<!tpu.dma_semaphore, #tpu.memory_space<semaphore_mem>>)
    %dma_wait3A = arith.constant 0 : i32
    %dma_wait3A_40 = arith.constant 0 : i32
    %dma_wait3A_41 = arith.constant 0 : i32
    %dma_wait3A_42 = tpu.memref_slice %arg8[%dma_wait3A_40, %dma_wait3A_41] : memref<512x128xf32, #tpu.memory_space<vmem>> -> memref<128x128xf32, #tpu.memory_space<vmem>>
    %dma_wait3A_43 = arith.constant 0 : i32
    %dma_wait3A_44 = tpu.memref_slice %arg6[%dma_wait3A, %dma_wait3A_43] : memref<4x128xi32, #tpu.memory_space<vmem>> -> memref<1x128xi32, #tpu.memory_space<vmem>>
    %dma_wait3A_45 = tpu.memref_squeeze %dma_wait3A_44 : memref<1x128xi32, #tpu.memory_space<vmem>> -> memref<128xi32, #tpu.memory_space<vmem>>
    %dma_wait3A_46 = arith.constant 0 : i32
    %dma_wait3A_47 = arith.constant 0 : i32
    %dma_wait3A_48 = tpu.memref_slice %arg2[%dma_wait3A_46, %dma_wait3A_47] : memref<49152x128xf32, #tpu.memory_space<hbm>> -> memref<49152x128xf32, #tpu.memory_space<hbm>>
    tpu.wait_indirect_dma semaphore(%arg9 : memref<!tpu.dma_semaphore, #tpu.memory_space<semaphore_mem>>) src(%dma_wait3A_48 : memref<49152x128xf32, #tpu.memory_space<hbm>>) dst(%dma_wait3A_42 : memref<128x128xf32, #tpu.memory_space<vmem>>)
    %dma_wait3A_49 = arith.constant 1 : i32
    %dma_wait3A_50 = arith.constant 128 : i32
    %dma_wait3A_51 = arith.constant 0 : i32
    %dma_wait3A_52 = tpu.memref_slice %arg8[%dma_wait3A_50, %dma_wait3A_51] : memref<512x128xf32, #tpu.memory_space<vmem>> -> memref<128x128xf32, #tpu.memory_space<vmem>>
    %dma_wait3A_53 = arith.constant 0 : i32
    %dma_wait3A_54 = tpu.memref_slice %arg6[%dma_wait3A_49, %dma_wait3A_53] : memref<4x128xi32, #tpu.memory_space<vmem>> -> memref<1x128xi32, #tpu.memory_space<vmem>>
    %dma_wait3A_55 = tpu.memref_squeeze %dma_wait3A_54 : memref<1x128xi32, #tpu.memory_space<vmem>> -> memref<128xi32, #tpu.memory_space<vmem>>
    %dma_wait3A_56 = arith.constant 0 : i32
    %dma_wait3A_57 = arith.constant 0 : i32
    %dma_wait3A_58 = tpu.memref_slice %arg2[%dma_wait3A_56, %dma_wait3A_57] : memref<49152x128xf32, #tpu.memory_space<hbm>> -> memref<49152x128xf32, #tpu.memory_space<hbm>>
    tpu.wait_indirect_dma semaphore(%arg9 : memref<!tpu.dma_semaphore, #tpu.memory_space<semaphore_mem>>) src(%dma_wait3A_58 : memref<49152x128xf32, #tpu.memory_space<hbm>>) dst(%dma_wait3A_52 : memref<128x128xf32, #tpu.memory_space<vmem>>)
    %dma_wait3A_59 = arith.constant 2 : i32
    %dma_wait3A_60 = arith.constant 256 : i32
    %dma_wait3A_61 = arith.constant 0 : i32
    %dma_wait3A_62 = tpu.memref_slice %arg8[%dma_wait3A_60, %dma_wait3A_61] : memref<512x128xf32, #tpu.memory_space<vmem>> -> memref<128x128xf32, #tpu.memory_space<vmem>>
    %dma_wait3A_63 = arith.constant 0 : i32
    %dma_wait3A_64 = tpu.memref_slice %arg6[%dma_wait3A_59, %dma_wait3A_63] : memref<4x128xi32, #tpu.memory_space<vmem>> -> memref<1x128xi32, #tpu.memory_space<vmem>>
    %dma_wait3A_65 = tpu.memref_squeeze %dma_wait3A_64 : memref<1x128xi32, #tpu.memory_space<vmem>> -> memref<128xi32, #tpu.memory_space<vmem>>
    %dma_wait3A_66 = arith.constant 0 : i32
    %dma_wait3A_67 = arith.constant 0 : i32
    %dma_wait3A_68 = tpu.memref_slice %arg2[%dma_wait3A_66, %dma_wait3A_67] : memref<49152x128xf32, #tpu.memory_space<hbm>> -> memref<49152x128xf32, #tpu.memory_space<hbm>>
    tpu.wait_indirect_dma semaphore(%arg9 : memref<!tpu.dma_semaphore, #tpu.memory_space<semaphore_mem>>) src(%dma_wait3A_68 : memref<49152x128xf32, #tpu.memory_space<hbm>>) dst(%dma_wait3A_62 : memref<128x128xf32, #tpu.memory_space<vmem>>)
    %dma_wait3A_69 = arith.constant 3 : i32
    %dma_wait3A_70 = arith.constant 384 : i32
    %dma_wait3A_71 = arith.constant 0 : i32
    %dma_wait3A_72 = tpu.memref_slice %arg8[%dma_wait3A_70, %dma_wait3A_71] : memref<512x128xf32, #tpu.memory_space<vmem>> -> memref<128x128xf32, #tpu.memory_space<vmem>>
    %dma_wait3A_73 = arith.constant 0 : i32
    %dma_wait3A_74 = tpu.memref_slice %arg6[%dma_wait3A_69, %dma_wait3A_73] : memref<4x128xi32, #tpu.memory_space<vmem>> -> memref<1x128xi32, #tpu.memory_space<vmem>>
    %dma_wait3A_75 = tpu.memref_squeeze %dma_wait3A_74 : memref<1x128xi32, #tpu.memory_space<vmem>> -> memref<128xi32, #tpu.memory_space<vmem>>
    %dma_wait3A_76 = arith.constant 0 : i32
    %dma_wait3A_77 = arith.constant 0 : i32
    %dma_wait3A_78 = tpu.memref_slice %arg2[%dma_wait3A_76, %dma_wait3A_77] : memref<49152x128xf32, #tpu.memory_space<hbm>> -> memref<49152x128xf32, #tpu.memory_space<hbm>>
    tpu.wait_indirect_dma semaphore(%arg9 : memref<!tpu.dma_semaphore, #tpu.memory_space<semaphore_mem>>) src(%dma_wait3A_78 : memref<49152x128xf32, #tpu.memory_space<hbm>>) dst(%dma_wait3A_72 : memref<128x128xf32, #tpu.memory_space<vmem>>)
    %dma_start3A_79 = arith.constant 0 : i32
    %dma_start3A_80 = arith.constant 0 : i32
    %dma_start3A_81 = arith.constant 0 : i32
    %dma_start3A_82 = tpu.memref_slice %arg8[%dma_start3A_80, %dma_start3A_81] : memref<512x128xf32, #tpu.memory_space<vmem>> -> memref<128x128xf32, #tpu.memory_space<vmem>>
    %dma_start3A_83 = arith.constant 0 : i32
    %dma_start3A_84 = tpu.memref_slice %arg7[%dma_start3A_79, %dma_start3A_83] : memref<4x128xi32, #tpu.memory_space<vmem>> -> memref<1x128xi32, #tpu.memory_space<vmem>>
    %dma_start3A_85 = tpu.memref_squeeze %dma_start3A_84 : memref<1x128xi32, #tpu.memory_space<vmem>> -> memref<128xi32, #tpu.memory_space<vmem>>
    %dma_start3A_86 = arith.constant 0 : i32
    %dma_start3A_87 = arith.constant 0 : i32
    %dma_start3A_88 = tpu.memref_slice %arg5[%dma_start3A_86, %dma_start3A_87] : memref<16384x128xf32, #tpu.memory_space<hbm>> -> memref<16384x128xf32, #tpu.memory_space<hbm>>
    tpu.enqueue_indirect_dma source(%dma_start3A_82 : memref<128x128xf32, #tpu.memory_space<vmem>>) target(%dma_start3A_88 : memref<16384x128xf32, #tpu.memory_space<hbm>>) offsets(%dma_start3A_85 : memref<128xi32, #tpu.memory_space<vmem>>) semaphore(%arg10 : memref<!tpu.dma_semaphore, #tpu.memory_space<semaphore_mem>>)
    %dma_start3A_89 = arith.constant 1 : i32
    %dma_start3A_90 = arith.constant 128 : i32
    %dma_start3A_91 = arith.constant 0 : i32
    %dma_start3A_92 = tpu.memref_slice %arg8[%dma_start3A_90, %dma_start3A_91] : memref<512x128xf32, #tpu.memory_space<vmem>> -> memref<128x128xf32, #tpu.memory_space<vmem>>
    %dma_start3A_93 = arith.constant 0 : i32
    %dma_start3A_94 = tpu.memref_slice %arg7[%dma_start3A_89, %dma_start3A_93] : memref<4x128xi32, #tpu.memory_space<vmem>> -> memref<1x128xi32, #tpu.memory_space<vmem>>
    %dma_start3A_95 = tpu.memref_squeeze %dma_start3A_94 : memref<1x128xi32, #tpu.memory_space<vmem>> -> memref<128xi32, #tpu.memory_space<vmem>>
    %dma_start3A_96 = arith.constant 0 : i32
    %dma_start3A_97 = arith.constant 0 : i32
    %dma_start3A_98 = tpu.memref_slice %arg5[%dma_start3A_96, %dma_start3A_97] : memref<16384x128xf32, #tpu.memory_space<hbm>> -> memref<16384x128xf32, #tpu.memory_space<hbm>>
    tpu.enqueue_indirect_dma source(%dma_start3A_92 : memref<128x128xf32, #tpu.memory_space<vmem>>) target(%dma_start3A_98 : memref<16384x128xf32, #tpu.memory_space<hbm>>) offsets(%dma_start3A_95 : memref<128xi32, #tpu.memory_space<vmem>>) semaphore(%arg10 : memref<!tpu.dma_semaphore, #tpu.memory_space<semaphore_mem>>)
    %dma_start3A_99 = arith.constant 2 : i32
    %dma_start3A_100 = arith.constant 256 : i32
    %dma_start3A_101 = arith.constant 0 : i32
    %dma_start3A_102 = tpu.memref_slice %arg8[%dma_start3A_100, %dma_start3A_101] : memref<512x128xf32, #tpu.memory_space<vmem>> -> memref<128x128xf32, #tpu.memory_space<vmem>>
    %dma_start3A_103 = arith.constant 0 : i32
    %dma_start3A_104 = tpu.memref_slice %arg7[%dma_start3A_99, %dma_start3A_103] : memref<4x128xi32, #tpu.memory_space<vmem>> -> memref<1x128xi32, #tpu.memory_space<vmem>>
    %dma_start3A_105 = tpu.memref_squeeze %dma_start3A_104 : memref<1x128xi32, #tpu.memory_space<vmem>> -> memref<128xi32, #tpu.memory_space<vmem>>
    %dma_start3A_106 = arith.constant 0 : i32
    %dma_start3A_107 = arith.constant 0 : i32
    %dma_start3A_108 = tpu.memref_slice %arg5[%dma_start3A_106, %dma_start3A_107] : memref<16384x128xf32, #tpu.memory_space<hbm>> -> memref<16384x128xf32, #tpu.memory_space<hbm>>
    tpu.enqueue_indirect_dma source(%dma_start3A_102 : memref<128x128xf32, #tpu.memory_space<vmem>>) target(%dma_start3A_108 : memref<16384x128xf32, #tpu.memory_space<hbm>>) offsets(%dma_start3A_105 : memref<128xi32, #tpu.memory_space<vmem>>) semaphore(%arg10 : memref<!tpu.dma_semaphore, #tpu.memory_space<semaphore_mem>>)
    %dma_start3A_109 = arith.constant 3 : i32
    %dma_start3A_110 = arith.constant 384 : i32
    %dma_start3A_111 = arith.constant 0 : i32
    %dma_start3A_112 = tpu.memref_slice %arg8[%dma_start3A_110, %dma_start3A_111] : memref<512x128xf32, #tpu.memory_space<vmem>> -> memref<128x128xf32, #tpu.memory_space<vmem>>
    %dma_start3A_113 = arith.constant 0 : i32
    %dma_start3A_114 = tpu.memref_slice %arg7[%dma_start3A_109, %dma_start3A_113] : memref<4x128xi32, #tpu.memory_space<vmem>> -> memref<1x128xi32, #tpu.memory_space<vmem>>
    %dma_start3A_115 = tpu.memref_squeeze %dma_start3A_114 : memref<1x128xi32, #tpu.memory_space<vmem>> -> memref<128xi32, #tpu.memory_space<vmem>>
    %dma_start3A_116 = arith.constant 0 : i32
    %dma_start3A_117 = arith.constant 0 : i32
    %dma_start3A_118 = tpu.memref_slice %arg5[%dma_start3A_116, %dma_start3A_117] : memref<16384x128xf32, #tpu.memory_space<hbm>> -> memref<16384x128xf32, #tpu.memory_space<hbm>>
    tpu.enqueue_indirect_dma source(%dma_start3A_112 : memref<128x128xf32, #tpu.memory_space<vmem>>) target(%dma_start3A_118 : memref<16384x128xf32, #tpu.memory_space<hbm>>) offsets(%dma_start3A_115 : memref<128xi32, #tpu.memory_space<vmem>>) semaphore(%arg10 : memref<!tpu.dma_semaphore, #tpu.memory_space<semaphore_mem>>)
    %dma_wait3A_119 = arith.constant 0 : i32
    %dma_wait3A_120 = arith.constant 0 : i32
    %dma_wait3A_121 = arith.constant 0 : i32
    %dma_wait3A_122 = tpu.memref_slice %arg8[%dma_wait3A_120, %dma_wait3A_121] : memref<512x128xf32, #tpu.memory_space<vmem>> -> memref<128x128xf32, #tpu.memory_space<vmem>>
    %dma_wait3A_123 = arith.constant 0 : i32
    %dma_wait3A_124 = tpu.memref_slice %arg7[%dma_wait3A_119, %dma_wait3A_123] : memref<4x128xi32, #tpu.memory_space<vmem>> -> memref<1x128xi32, #tpu.memory_space<vmem>>
    %dma_wait3A_125 = tpu.memref_squeeze %dma_wait3A_124 : memref<1x128xi32, #tpu.memory_space<vmem>> -> memref<128xi32, #tpu.memory_space<vmem>>
    %dma_wait3A_126 = arith.constant 0 : i32
    %dma_wait3A_127 = arith.constant 0 : i32
    %dma_wait3A_128 = tpu.memref_slice %arg5[%dma_wait3A_126, %dma_wait3A_127] : memref<16384x128xf32, #tpu.memory_space<hbm>> -> memref<16384x128xf32, #tpu.memory_space<hbm>>
    tpu.wait_indirect_dma semaphore(%arg10 : memref<!tpu.dma_semaphore, #tpu.memory_space<semaphore_mem>>) src(%dma_wait3A_122 : memref<128x128xf32, #tpu.memory_space<vmem>>) dst(%dma_wait3A_128 : memref<16384x128xf32, #tpu.memory_space<hbm>>)
    %dma_wait3A_129 = arith.constant 1 : i32
    %dma_wait3A_130 = arith.constant 128 : i32
    %dma_wait3A_131 = arith.constant 0 : i32
    %dma_wait3A_132 = tpu.memref_slice %arg8[%dma_wait3A_130, %dma_wait3A_131] : memref<512x128xf32, #tpu.memory_space<vmem>> -> memref<128x128xf32, #tpu.memory_space<vmem>>
    %dma_wait3A_133 = arith.constant 0 : i32
    %dma_wait3A_134 = tpu.memref_slice %arg7[%dma_wait3A_129, %dma_wait3A_133] : memref<4x128xi32, #tpu.memory_space<vmem>> -> memref<1x128xi32, #tpu.memory_space<vmem>>
    %dma_wait3A_135 = tpu.memref_squeeze %dma_wait3A_134 : memref<1x128xi32, #tpu.memory_space<vmem>> -> memref<128xi32, #tpu.memory_space<vmem>>
    %dma_wait3A_136 = arith.constant 0 : i32
    %dma_wait3A_137 = arith.constant 0 : i32
    %dma_wait3A_138 = tpu.memref_slice %arg5[%dma_wait3A_136, %dma_wait3A_137] : memref<16384x128xf32, #tpu.memory_space<hbm>> -> memref<16384x128xf32, #tpu.memory_space<hbm>>
    tpu.wait_indirect_dma semaphore(%arg10 : memref<!tpu.dma_semaphore, #tpu.memory_space<semaphore_mem>>) src(%dma_wait3A_132 : memref<128x128xf32, #tpu.memory_space<vmem>>) dst(%dma_wait3A_138 : memref<16384x128xf32, #tpu.memory_space<hbm>>)
    %dma_wait3A_139 = arith.constant 2 : i32
    %dma_wait3A_140 = arith.constant 256 : i32
    %dma_wait3A_141 = arith.constant 0 : i32
    %dma_wait3A_142 = tpu.memref_slice %arg8[%dma_wait3A_140, %dma_wait3A_141] : memref<512x128xf32, #tpu.memory_space<vmem>> -> memref<128x128xf32, #tpu.memory_space<vmem>>
    %dma_wait3A_143 = arith.constant 0 : i32
    %dma_wait3A_144 = tpu.memref_slice %arg7[%dma_wait3A_139, %dma_wait3A_143] : memref<4x128xi32, #tpu.memory_space<vmem>> -> memref<1x128xi32, #tpu.memory_space<vmem>>
    %dma_wait3A_145 = tpu.memref_squeeze %dma_wait3A_144 : memref<1x128xi32, #tpu.memory_space<vmem>> -> memref<128xi32, #tpu.memory_space<vmem>>
    %dma_wait3A_146 = arith.constant 0 : i32
    %dma_wait3A_147 = arith.constant 0 : i32
    %dma_wait3A_148 = tpu.memref_slice %arg5[%dma_wait3A_146, %dma_wait3A_147] : memref<16384x128xf32, #tpu.memory_space<hbm>> -> memref<16384x128xf32, #tpu.memory_space<hbm>>
    tpu.wait_indirect_dma semaphore(%arg10 : memref<!tpu.dma_semaphore, #tpu.memory_space<semaphore_mem>>) src(%dma_wait3A_142 : memref<128x128xf32, #tpu.memory_space<vmem>>) dst(%dma_wait3A_148 : memref<16384x128xf32, #tpu.memory_space<hbm>>)
    %dma_wait3A_149 = arith.constant 3 : i32
    %dma_wait3A_150 = arith.constant 384 : i32
    %dma_wait3A_151 = arith.constant 0 : i32
    %dma_wait3A_152 = tpu.memref_slice %arg8[%dma_wait3A_150, %dma_wait3A_151] : memref<512x128xf32, #tpu.memory_space<vmem>> -> memref<128x128xf32, #tpu.memory_space<vmem>>
    %dma_wait3A_153 = arith.constant 0 : i32
    %dma_wait3A_154 = tpu.memref_slice %arg7[%dma_wait3A_149, %dma_wait3A_153] : memref<4x128xi32, #tpu.memory_space<vmem>> -> memref<1x128xi32, #tpu.memory_space<vmem>>
    %dma_wait3A_155 = tpu.memref_squeeze %dma_wait3A_154 : memref<1x128xi32, #tpu.memory_space<vmem>> -> memref<128xi32, #tpu.memory_space<vmem>>
    %dma_wait3A_156 = arith.constant 0 : i32
    %dma_wait3A_157 = arith.constant 0 : i32
    %dma_wait3A_158 = tpu.memref_slice %arg5[%dma_wait3A_156, %dma_wait3A_157] : memref<16384x128xf32, #tpu.memory_space<hbm>> -> memref<16384x128xf32, #tpu.memory_space<hbm>>
    tpu.wait_indirect_dma semaphore(%arg10 : memref<!tpu.dma_semaphore, #tpu.memory_space<semaphore_mem>>) src(%dma_wait3A_152 : memref<128x128xf32, #tpu.memory_space<vmem>>) dst(%dma_wait3A_158 : memref<16384x128xf32, #tpu.memory_space<hbm>>)
    return
  }
}

#map = affine_map<(d0, d1) -> (0, 0)>
#map1 = affine_map<(d0, d1) -> (0, 0, 0)>
module attributes {stable_mosaic.version = 14 : i64} {
  func.func @permute_kernel(%arg0: i32, %arg1: i32, %arg2: memref<16384x128xf32, #tpu.memory_space<hbm>>, %arg3: memref<32x4x128xi32, #tpu.memory_space<hbm>>, %arg4: memref<32x4x128xi32, #tpu.memory_space<hbm>>, %arg5: memref<49152x128xf32, #tpu.memory_space<hbm>>, %arg6: memref<4x128xi32, #tpu.memory_space<vmem>>, %arg7: memref<4x128xi32, #tpu.memory_space<vmem>>, %arg8: memref<512x128xf32, #tpu.memory_space<vmem>>, %arg9: memref<!tpu.dma_semaphore, #tpu.memory_space<semaphore_mem>>, %arg10: memref<!tpu.dma_semaphore, #tpu.memory_space<semaphore_mem>>) attributes {dimension_semantics = [#tpu.dimension_semantics<core_parallel>, #tpu.dimension_semantics<subcore_parallel>], iteration_bounds = array<i64: 2, 16>, scalar_prefetch = 0 : i64, scratch_operands = 5 : i64, tpu.core_type = #tpu.core_type<sc_vector_subcore>, window_params = [{transform_indices = #map}, {transform_indices = #map1}, {transform_indices = #map1}, {transform_indices = #map}]} {
    %mul3A = arith.constant 2 : i32
    %mul3A_0 = arith.muli %arg1, %mul3A : i32
    %add3A = arith.addi %mul3A_0, %arg0 : i32
    "tpu.region"() ({
      %run_scoped3A = tpu.sem_alloc : memref<!tpu.dma_semaphore, #tpu.memory_space<semaphore_mem>>
      %dma_start3A_159 = arith.constant 0 : i32
      %dma_start3A_160 = arith.constant 0 : i32
      %dma_start3A_161 = tpu.memref_slice %arg3[%add3A, %dma_start3A_159, %dma_start3A_160] : memref<32x4x128xi32, #tpu.memory_space<hbm>> -> memref<1x4x128xi32, #tpu.memory_space<hbm>>
      %dma_start3A_162 = tpu.memref_squeeze %dma_start3A_161 : memref<1x4x128xi32, #tpu.memory_space<hbm>> -> memref<4x128xi32, #tpu.memory_space<hbm>>
      %dma_start3A_163 = arith.constant 0 : i32
      %dma_start3A_164 = arith.constant 0 : i32
      %dma_start3A_165 = tpu.memref_slice %arg3[%add3A, %dma_start3A_163, %dma_start3A_164] : memref<32x4x128xi32, #tpu.memory_space<hbm>> -> memref<1x4x128xi32, #tpu.memory_space<hbm>>
      %dma_start3A_166 = tpu.memref_squeeze %dma_start3A_165 : memref<1x4x128xi32, #tpu.memory_space<hbm>> -> memref<4x128xi32, #tpu.memory_space<hbm>>
      tpu.enqueue_dma source(%dma_start3A_166 : memref<4x128xi32, #tpu.memory_space<hbm>>) target(%arg6 : memref<4x128xi32, #tpu.memory_space<vmem>>) target_semaphore(%run_scoped3A : memref<!tpu.dma_semaphore, #tpu.memory_space<semaphore_mem>>)
      %dma_wait3A_167 = arith.constant 0 : i32
      %dma_wait3A_168 = arith.constant 0 : i32
      %dma_wait3A_169 = tpu.memref_slice %arg3[%add3A, %dma_wait3A_167, %dma_wait3A_168] : memref<32x4x128xi32, #tpu.memory_space<hbm>> -> memref<1x4x128xi32, #tpu.memory_space<hbm>>
      %dma_wait3A_170 = tpu.memref_squeeze %dma_wait3A_169 : memref<1x4x128xi32, #tpu.memory_space<hbm>> -> memref<4x128xi32, #tpu.memory_space<hbm>>
      %dma_wait3A_171 = arith.constant 0 : i32
      %dma_wait3A_172 = arith.constant 0 : i32
      %dma_wait3A_173 = tpu.memref_slice %arg3[%add3A, %dma_wait3A_171, %dma_wait3A_172] : memref<32x4x128xi32, #tpu.memory_space<hbm>> -> memref<1x4x128xi32, #tpu.memory_space<hbm>>
      %dma_wait3A_174 = tpu.memref_squeeze %dma_wait3A_173 : memref<1x4x128xi32, #tpu.memory_space<hbm>> -> memref<4x128xi32, #tpu.memory_space<hbm>>
      tpu.wait_dma2 semaphore(%run_scoped3A : memref<!tpu.dma_semaphore, #tpu.memory_space<semaphore_mem>>) src(%dma_wait3A_174 : memref<4x128xi32, #tpu.memory_space<hbm>>) dst(%arg6 : memref<4x128xi32, #tpu.memory_space<vmem>>)
      tpu.yield
    }) : () -> ()
    "tpu.region"() ({
      %run_scoped3A = tpu.sem_alloc : memref<!tpu.dma_semaphore, #tpu.memory_space<semaphore_mem>>
      %dma_start3A_159 = arith.constant 0 : i32
      %dma_start3A_160 = arith.constant 0 : i32
      %dma_start3A_161 = tpu.memref_slice %arg4[%add3A, %dma_start3A_159, %dma_start3A_160] : memref<32x4x128xi32, #tpu.memory_space<hbm>> -> memref<1x4x128xi32, #tpu.memory_space<hbm>>
      %dma_start3A_162 = tpu.memref_squeeze %dma_start3A_161 : memref<1x4x128xi32, #tpu.memory_space<hbm>> -> memref<4x128xi32, #tpu.memory_space<hbm>>
      %dma_start3A_163 = arith.constant 0 : i32
      %dma_start3A_164 = arith.constant 0 : i32
      %dma_start3A_165 = tpu.memref_slice %arg4[%add3A, %dma_start3A_163, %dma_start3A_164] : memref<32x4x128xi32, #tpu.memory_space<hbm>> -> memref<1x4x128xi32, #tpu.memory_space<hbm>>
      %dma_start3A_166 = tpu.memref_squeeze %dma_start3A_165 : memref<1x4x128xi32, #tpu.memory_space<hbm>> -> memref<4x128xi32, #tpu.memory_space<hbm>>
      tpu.enqueue_dma source(%dma_start3A_166 : memref<4x128xi32, #tpu.memory_space<hbm>>) target(%arg7 : memref<4x128xi32, #tpu.memory_space<vmem>>) target_semaphore(%run_scoped3A : memref<!tpu.dma_semaphore, #tpu.memory_space<semaphore_mem>>)
      %dma_wait3A_167 = arith.constant 0 : i32
      %dma_wait3A_168 = arith.constant 0 : i32
      %dma_wait3A_169 = tpu.memref_slice %arg4[%add3A, %dma_wait3A_167, %dma_wait3A_168] : memref<32x4x128xi32, #tpu.memory_space<hbm>> -> memref<1x4x128xi32, #tpu.memory_space<hbm>>
      %dma_wait3A_170 = tpu.memref_squeeze %dma_wait3A_169 : memref<1x4x128xi32, #tpu.memory_space<hbm>> -> memref<4x128xi32, #tpu.memory_space<hbm>>
      %dma_wait3A_171 = arith.constant 0 : i32
      %dma_wait3A_172 = arith.constant 0 : i32
      %dma_wait3A_173 = tpu.memref_slice %arg4[%add3A, %dma_wait3A_171, %dma_wait3A_172] : memref<32x4x128xi32, #tpu.memory_space<hbm>> -> memref<1x4x128xi32, #tpu.memory_space<hbm>>
      %dma_wait3A_174 = tpu.memref_squeeze %dma_wait3A_173 : memref<1x4x128xi32, #tpu.memory_space<hbm>> -> memref<4x128xi32, #tpu.memory_space<hbm>>
      tpu.wait_dma2 semaphore(%run_scoped3A : memref<!tpu.dma_semaphore, #tpu.memory_space<semaphore_mem>>) src(%dma_wait3A_174 : memref<4x128xi32, #tpu.memory_space<hbm>>) dst(%arg7 : memref<4x128xi32, #tpu.memory_space<vmem>>)
      tpu.yield
    }) : () -> ()
    %dma_start3A = arith.constant 0 : i32
    %dma_start3A_1 = arith.constant 0 : i32
    %dma_start3A_2 = arith.constant 0 : i32
    %dma_start3A_3 = tpu.memref_slice %arg8[%dma_start3A_1, %dma_start3A_2] : memref<512x128xf32, #tpu.memory_space<vmem>> -> memref<128x128xf32, #tpu.memory_space<vmem>>
    %dma_start3A_4 = arith.constant 0 : i32
    %dma_start3A_5 = tpu.memref_slice %arg6[%dma_start3A, %dma_start3A_4] : memref<4x128xi32, #tpu.memory_space<vmem>> -> memref<1x128xi32, #tpu.memory_space<vmem>>
    %dma_start3A_6 = tpu.memref_squeeze %dma_start3A_5 : memref<1x128xi32, #tpu.memory_space<vmem>> -> memref<128xi32, #tpu.memory_space<vmem>>
    %dma_start3A_7 = arith.constant 0 : i32
    %dma_start3A_8 = arith.constant 0 : i32
    %dma_start3A_9 = tpu.memref_slice %arg2[%dma_start3A_7, %dma_start3A_8] : memref<16384x128xf32, #tpu.memory_space<hbm>> -> memref<16384x128xf32, #tpu.memory_space<hbm>>
    tpu.enqueue_indirect_dma source(%dma_start3A_9 : memref<16384x128xf32, #tpu.memory_space<hbm>>) target(%dma_start3A_3 : memref<128x128xf32, #tpu.memory_space<vmem>>) offsets(%dma_start3A_6 : memref<128xi32, #tpu.memory_space<vmem>>) semaphore(%arg9 : memref<!tpu.dma_semaphore, #tpu.memory_space<semaphore_mem>>)
    %dma_start3A_10 = arith.constant 1 : i32
    %dma_start3A_11 = arith.constant 128 : i32
    %dma_start3A_12 = arith.constant 0 : i32
    %dma_start3A_13 = tpu.memref_slice %arg8[%dma_start3A_11, %dma_start3A_12] : memref<512x128xf32, #tpu.memory_space<vmem>> -> memref<128x128xf32, #tpu.memory_space<vmem>>
    %dma_start3A_14 = arith.constant 0 : i32
    %dma_start3A_15 = tpu.memref_slice %arg6[%dma_start3A_10, %dma_start3A_14] : memref<4x128xi32, #tpu.memory_space<vmem>> -> memref<1x128xi32, #tpu.memory_space<vmem>>
    %dma_start3A_16 = tpu.memref_squeeze %dma_start3A_15 : memref<1x128xi32, #tpu.memory_space<vmem>> -> memref<128xi32, #tpu.memory_space<vmem>>
    %dma_start3A_17 = arith.constant 0 : i32
    %dma_start3A_18 = arith.constant 0 : i32
    %dma_start3A_19 = tpu.memref_slice %arg2[%dma_start3A_17, %dma_start3A_18] : memref<16384x128xf32, #tpu.memory_space<hbm>> -> memref<16384x128xf32, #tpu.memory_space<hbm>>
    tpu.enqueue_indirect_dma source(%dma_start3A_19 : memref<16384x128xf32, #tpu.memory_space<hbm>>) target(%dma_start3A_13 : memref<128x128xf32, #tpu.memory_space<vmem>>) offsets(%dma_start3A_16 : memref<128xi32, #tpu.memory_space<vmem>>) semaphore(%arg9 : memref<!tpu.dma_semaphore, #tpu.memory_space<semaphore_mem>>)
    %dma_start3A_20 = arith.constant 2 : i32
    %dma_start3A_21 = arith.constant 256 : i32
    %dma_start3A_22 = arith.constant 0 : i32
    %dma_start3A_23 = tpu.memref_slice %arg8[%dma_start3A_21, %dma_start3A_22] : memref<512x128xf32, #tpu.memory_space<vmem>> -> memref<128x128xf32, #tpu.memory_space<vmem>>
    %dma_start3A_24 = arith.constant 0 : i32
    %dma_start3A_25 = tpu.memref_slice %arg6[%dma_start3A_20, %dma_start3A_24] : memref<4x128xi32, #tpu.memory_space<vmem>> -> memref<1x128xi32, #tpu.memory_space<vmem>>
    %dma_start3A_26 = tpu.memref_squeeze %dma_start3A_25 : memref<1x128xi32, #tpu.memory_space<vmem>> -> memref<128xi32, #tpu.memory_space<vmem>>
    %dma_start3A_27 = arith.constant 0 : i32
    %dma_start3A_28 = arith.constant 0 : i32
    %dma_start3A_29 = tpu.memref_slice %arg2[%dma_start3A_27, %dma_start3A_28] : memref<16384x128xf32, #tpu.memory_space<hbm>> -> memref<16384x128xf32, #tpu.memory_space<hbm>>
    tpu.enqueue_indirect_dma source(%dma_start3A_29 : memref<16384x128xf32, #tpu.memory_space<hbm>>) target(%dma_start3A_23 : memref<128x128xf32, #tpu.memory_space<vmem>>) offsets(%dma_start3A_26 : memref<128xi32, #tpu.memory_space<vmem>>) semaphore(%arg9 : memref<!tpu.dma_semaphore, #tpu.memory_space<semaphore_mem>>)
    %dma_start3A_30 = arith.constant 3 : i32
    %dma_start3A_31 = arith.constant 384 : i32
    %dma_start3A_32 = arith.constant 0 : i32
    %dma_start3A_33 = tpu.memref_slice %arg8[%dma_start3A_31, %dma_start3A_32] : memref<512x128xf32, #tpu.memory_space<vmem>> -> memref<128x128xf32, #tpu.memory_space<vmem>>
    %dma_start3A_34 = arith.constant 0 : i32
    %dma_start3A_35 = tpu.memref_slice %arg6[%dma_start3A_30, %dma_start3A_34] : memref<4x128xi32, #tpu.memory_space<vmem>> -> memref<1x128xi32, #tpu.memory_space<vmem>>
    %dma_start3A_36 = tpu.memref_squeeze %dma_start3A_35 : memref<1x128xi32, #tpu.memory_space<vmem>> -> memref<128xi32, #tpu.memory_space<vmem>>
    %dma_start3A_37 = arith.constant 0 : i32
    %dma_start3A_38 = arith.constant 0 : i32
    %dma_start3A_39 = tpu.memref_slice %arg2[%dma_start3A_37, %dma_start3A_38] : memref<16384x128xf32, #tpu.memory_space<hbm>> -> memref<16384x128xf32, #tpu.memory_space<hbm>>
    tpu.enqueue_indirect_dma source(%dma_start3A_39 : memref<16384x128xf32, #tpu.memory_space<hbm>>) target(%dma_start3A_33 : memref<128x128xf32, #tpu.memory_space<vmem>>) offsets(%dma_start3A_36 : memref<128xi32, #tpu.memory_space<vmem>>) semaphore(%arg9 : memref<!tpu.dma_semaphore, #tpu.memory_space<semaphore_mem>>)
    %dma_wait3A = arith.constant 0 : i32
    %dma_wait3A_40 = arith.constant 0 : i32
    %dma_wait3A_41 = arith.constant 0 : i32
    %dma_wait3A_42 = tpu.memref_slice %arg8[%dma_wait3A_40, %dma_wait3A_41] : memref<512x128xf32, #tpu.memory_space<vmem>> -> memref<128x128xf32, #tpu.memory_space<vmem>>
    %dma_wait3A_43 = arith.constant 0 : i32
    %dma_wait3A_44 = tpu.memref_slice %arg6[%dma_wait3A, %dma_wait3A_43] : memref<4x128xi32, #tpu.memory_space<vmem>> -> memref<1x128xi32, #tpu.memory_space<vmem>>
    %dma_wait3A_45 = tpu.memref_squeeze %dma_wait3A_44 : memref<1x128xi32, #tpu.memory_space<vmem>> -> memref<128xi32, #tpu.memory_space<vmem>>
    %dma_wait3A_46 = arith.constant 0 : i32
    %dma_wait3A_47 = arith.constant 0 : i32
    %dma_wait3A_48 = tpu.memref_slice %arg2[%dma_wait3A_46, %dma_wait3A_47] : memref<16384x128xf32, #tpu.memory_space<hbm>> -> memref<16384x128xf32, #tpu.memory_space<hbm>>
    tpu.wait_indirect_dma semaphore(%arg9 : memref<!tpu.dma_semaphore, #tpu.memory_space<semaphore_mem>>) src(%dma_wait3A_48 : memref<16384x128xf32, #tpu.memory_space<hbm>>) dst(%dma_wait3A_42 : memref<128x128xf32, #tpu.memory_space<vmem>>)
    %dma_wait3A_49 = arith.constant 1 : i32
    %dma_wait3A_50 = arith.constant 128 : i32
    %dma_wait3A_51 = arith.constant 0 : i32
    %dma_wait3A_52 = tpu.memref_slice %arg8[%dma_wait3A_50, %dma_wait3A_51] : memref<512x128xf32, #tpu.memory_space<vmem>> -> memref<128x128xf32, #tpu.memory_space<vmem>>
    %dma_wait3A_53 = arith.constant 0 : i32
    %dma_wait3A_54 = tpu.memref_slice %arg6[%dma_wait3A_49, %dma_wait3A_53] : memref<4x128xi32, #tpu.memory_space<vmem>> -> memref<1x128xi32, #tpu.memory_space<vmem>>
    %dma_wait3A_55 = tpu.memref_squeeze %dma_wait3A_54 : memref<1x128xi32, #tpu.memory_space<vmem>> -> memref<128xi32, #tpu.memory_space<vmem>>
    %dma_wait3A_56 = arith.constant 0 : i32
    %dma_wait3A_57 = arith.constant 0 : i32
    %dma_wait3A_58 = tpu.memref_slice %arg2[%dma_wait3A_56, %dma_wait3A_57] : memref<16384x128xf32, #tpu.memory_space<hbm>> -> memref<16384x128xf32, #tpu.memory_space<hbm>>
    tpu.wait_indirect_dma semaphore(%arg9 : memref<!tpu.dma_semaphore, #tpu.memory_space<semaphore_mem>>) src(%dma_wait3A_58 : memref<16384x128xf32, #tpu.memory_space<hbm>>) dst(%dma_wait3A_52 : memref<128x128xf32, #tpu.memory_space<vmem>>)
    %dma_wait3A_59 = arith.constant 2 : i32
    %dma_wait3A_60 = arith.constant 256 : i32
    %dma_wait3A_61 = arith.constant 0 : i32
    %dma_wait3A_62 = tpu.memref_slice %arg8[%dma_wait3A_60, %dma_wait3A_61] : memref<512x128xf32, #tpu.memory_space<vmem>> -> memref<128x128xf32, #tpu.memory_space<vmem>>
    %dma_wait3A_63 = arith.constant 0 : i32
    %dma_wait3A_64 = tpu.memref_slice %arg6[%dma_wait3A_59, %dma_wait3A_63] : memref<4x128xi32, #tpu.memory_space<vmem>> -> memref<1x128xi32, #tpu.memory_space<vmem>>
    %dma_wait3A_65 = tpu.memref_squeeze %dma_wait3A_64 : memref<1x128xi32, #tpu.memory_space<vmem>> -> memref<128xi32, #tpu.memory_space<vmem>>
    %dma_wait3A_66 = arith.constant 0 : i32
    %dma_wait3A_67 = arith.constant 0 : i32
    %dma_wait3A_68 = tpu.memref_slice %arg2[%dma_wait3A_66, %dma_wait3A_67] : memref<16384x128xf32, #tpu.memory_space<hbm>> -> memref<16384x128xf32, #tpu.memory_space<hbm>>
    tpu.wait_indirect_dma semaphore(%arg9 : memref<!tpu.dma_semaphore, #tpu.memory_space<semaphore_mem>>) src(%dma_wait3A_68 : memref<16384x128xf32, #tpu.memory_space<hbm>>) dst(%dma_wait3A_62 : memref<128x128xf32, #tpu.memory_space<vmem>>)
    %dma_wait3A_69 = arith.constant 3 : i32
    %dma_wait3A_70 = arith.constant 384 : i32
    %dma_wait3A_71 = arith.constant 0 : i32
    %dma_wait3A_72 = tpu.memref_slice %arg8[%dma_wait3A_70, %dma_wait3A_71] : memref<512x128xf32, #tpu.memory_space<vmem>> -> memref<128x128xf32, #tpu.memory_space<vmem>>
    %dma_wait3A_73 = arith.constant 0 : i32
    %dma_wait3A_74 = tpu.memref_slice %arg6[%dma_wait3A_69, %dma_wait3A_73] : memref<4x128xi32, #tpu.memory_space<vmem>> -> memref<1x128xi32, #tpu.memory_space<vmem>>
    %dma_wait3A_75 = tpu.memref_squeeze %dma_wait3A_74 : memref<1x128xi32, #tpu.memory_space<vmem>> -> memref<128xi32, #tpu.memory_space<vmem>>
    %dma_wait3A_76 = arith.constant 0 : i32
    %dma_wait3A_77 = arith.constant 0 : i32
    %dma_wait3A_78 = tpu.memref_slice %arg2[%dma_wait3A_76, %dma_wait3A_77] : memref<16384x128xf32, #tpu.memory_space<hbm>> -> memref<16384x128xf32, #tpu.memory_space<hbm>>
    tpu.wait_indirect_dma semaphore(%arg9 : memref<!tpu.dma_semaphore, #tpu.memory_space<semaphore_mem>>) src(%dma_wait3A_78 : memref<16384x128xf32, #tpu.memory_space<hbm>>) dst(%dma_wait3A_72 : memref<128x128xf32, #tpu.memory_space<vmem>>)
    %dma_start3A_79 = arith.constant 0 : i32
    %dma_start3A_80 = arith.constant 0 : i32
    %dma_start3A_81 = arith.constant 0 : i32
    %dma_start3A_82 = tpu.memref_slice %arg8[%dma_start3A_80, %dma_start3A_81] : memref<512x128xf32, #tpu.memory_space<vmem>> -> memref<128x128xf32, #tpu.memory_space<vmem>>
    %dma_start3A_83 = arith.constant 0 : i32
    %dma_start3A_84 = tpu.memref_slice %arg7[%dma_start3A_79, %dma_start3A_83] : memref<4x128xi32, #tpu.memory_space<vmem>> -> memref<1x128xi32, #tpu.memory_space<vmem>>
    %dma_start3A_85 = tpu.memref_squeeze %dma_start3A_84 : memref<1x128xi32, #tpu.memory_space<vmem>> -> memref<128xi32, #tpu.memory_space<vmem>>
    %dma_start3A_86 = arith.constant 0 : i32
    %dma_start3A_87 = arith.constant 0 : i32
    %dma_start3A_88 = tpu.memref_slice %arg5[%dma_start3A_86, %dma_start3A_87] : memref<49152x128xf32, #tpu.memory_space<hbm>> -> memref<49152x128xf32, #tpu.memory_space<hbm>>
    tpu.enqueue_indirect_dma source(%dma_start3A_82 : memref<128x128xf32, #tpu.memory_space<vmem>>) target(%dma_start3A_88 : memref<49152x128xf32, #tpu.memory_space<hbm>>) offsets(%dma_start3A_85 : memref<128xi32, #tpu.memory_space<vmem>>) semaphore(%arg10 : memref<!tpu.dma_semaphore, #tpu.memory_space<semaphore_mem>>)
    %dma_start3A_89 = arith.constant 1 : i32
    %dma_start3A_90 = arith.constant 128 : i32
    %dma_start3A_91 = arith.constant 0 : i32
    %dma_start3A_92 = tpu.memref_slice %arg8[%dma_start3A_90, %dma_start3A_91] : memref<512x128xf32, #tpu.memory_space<vmem>> -> memref<128x128xf32, #tpu.memory_space<vmem>>
    %dma_start3A_93 = arith.constant 0 : i32
    %dma_start3A_94 = tpu.memref_slice %arg7[%dma_start3A_89, %dma_start3A_93] : memref<4x128xi32, #tpu.memory_space<vmem>> -> memref<1x128xi32, #tpu.memory_space<vmem>>
    %dma_start3A_95 = tpu.memref_squeeze %dma_start3A_94 : memref<1x128xi32, #tpu.memory_space<vmem>> -> memref<128xi32, #tpu.memory_space<vmem>>
    %dma_start3A_96 = arith.constant 0 : i32
    %dma_start3A_97 = arith.constant 0 : i32
    %dma_start3A_98 = tpu.memref_slice %arg5[%dma_start3A_96, %dma_start3A_97] : memref<49152x128xf32, #tpu.memory_space<hbm>> -> memref<49152x128xf32, #tpu.memory_space<hbm>>
    tpu.enqueue_indirect_dma source(%dma_start3A_92 : memref<128x128xf32, #tpu.memory_space<vmem>>) target(%dma_start3A_98 : memref<49152x128xf32, #tpu.memory_space<hbm>>) offsets(%dma_start3A_95 : memref<128xi32, #tpu.memory_space<vmem>>) semaphore(%arg10 : memref<!tpu.dma_semaphore, #tpu.memory_space<semaphore_mem>>)
    %dma_start3A_99 = arith.constant 2 : i32
    %dma_start3A_100 = arith.constant 256 : i32
    %dma_start3A_101 = arith.constant 0 : i32
    %dma_start3A_102 = tpu.memref_slice %arg8[%dma_start3A_100, %dma_start3A_101] : memref<512x128xf32, #tpu.memory_space<vmem>> -> memref<128x128xf32, #tpu.memory_space<vmem>>
    %dma_start3A_103 = arith.constant 0 : i32
    %dma_start3A_104 = tpu.memref_slice %arg7[%dma_start3A_99, %dma_start3A_103] : memref<4x128xi32, #tpu.memory_space<vmem>> -> memref<1x128xi32, #tpu.memory_space<vmem>>
    %dma_start3A_105 = tpu.memref_squeeze %dma_start3A_104 : memref<1x128xi32, #tpu.memory_space<vmem>> -> memref<128xi32, #tpu.memory_space<vmem>>
    %dma_start3A_106 = arith.constant 0 : i32
    %dma_start3A_107 = arith.constant 0 : i32
    %dma_start3A_108 = tpu.memref_slice %arg5[%dma_start3A_106, %dma_start3A_107] : memref<49152x128xf32, #tpu.memory_space<hbm>> -> memref<49152x128xf32, #tpu.memory_space<hbm>>
    tpu.enqueue_indirect_dma source(%dma_start3A_102 : memref<128x128xf32, #tpu.memory_space<vmem>>) target(%dma_start3A_108 : memref<49152x128xf32, #tpu.memory_space<hbm>>) offsets(%dma_start3A_105 : memref<128xi32, #tpu.memory_space<vmem>>) semaphore(%arg10 : memref<!tpu.dma_semaphore, #tpu.memory_space<semaphore_mem>>)
    %dma_start3A_109 = arith.constant 3 : i32
    %dma_start3A_110 = arith.constant 384 : i32
    %dma_start3A_111 = arith.constant 0 : i32
    %dma_start3A_112 = tpu.memref_slice %arg8[%dma_start3A_110, %dma_start3A_111] : memref<512x128xf32, #tpu.memory_space<vmem>> -> memref<128x128xf32, #tpu.memory_space<vmem>>
    %dma_start3A_113 = arith.constant 0 : i32
    %dma_start3A_114 = tpu.memref_slice %arg7[%dma_start3A_109, %dma_start3A_113] : memref<4x128xi32, #tpu.memory_space<vmem>> -> memref<1x128xi32, #tpu.memory_space<vmem>>
    %dma_start3A_115 = tpu.memref_squeeze %dma_start3A_114 : memref<1x128xi32, #tpu.memory_space<vmem>> -> memref<128xi32, #tpu.memory_space<vmem>>
    %dma_start3A_116 = arith.constant 0 : i32
    %dma_start3A_117 = arith.constant 0 : i32
    %dma_start3A_118 = tpu.memref_slice %arg5[%dma_start3A_116, %dma_start3A_117] : memref<49152x128xf32, #tpu.memory_space<hbm>> -> memref<49152x128xf32, #tpu.memory_space<hbm>>
    tpu.enqueue_indirect_dma source(%dma_start3A_112 : memref<128x128xf32, #tpu.memory_space<vmem>>) target(%dma_start3A_118 : memref<49152x128xf32, #tpu.memory_space<hbm>>) offsets(%dma_start3A_115 : memref<128xi32, #tpu.memory_space<vmem>>) semaphore(%arg10 : memref<!tpu.dma_semaphore, #tpu.memory_space<semaphore_mem>>)
    %dma_wait3A_119 = arith.constant 0 : i32
    %dma_wait3A_120 = arith.constant 0 : i32
    %dma_wait3A_121 = arith.constant 0 : i32
    %dma_wait3A_122 = tpu.memref_slice %arg8[%dma_wait3A_120, %dma_wait3A_121] : memref<512x128xf32, #tpu.memory_space<vmem>> -> memref<128x128xf32, #tpu.memory_space<vmem>>
    %dma_wait3A_123 = arith.constant 0 : i32
    %dma_wait3A_124 = tpu.memref_slice %arg7[%dma_wait3A_119, %dma_wait3A_123] : memref<4x128xi32, #tpu.memory_space<vmem>> -> memref<1x128xi32, #tpu.memory_space<vmem>>
    %dma_wait3A_125 = tpu.memref_squeeze %dma_wait3A_124 : memref<1x128xi32, #tpu.memory_space<vmem>> -> memref<128xi32, #tpu.memory_space<vmem>>
    %dma_wait3A_126 = arith.constant 0 : i32
    %dma_wait3A_127 = arith.constant 0 : i32
    %dma_wait3A_128 = tpu.memref_slice %arg5[%dma_wait3A_126, %dma_wait3A_127] : memref<49152x128xf32, #tpu.memory_space<hbm>> -> memref<49152x128xf32, #tpu.memory_space<hbm>>
    tpu.wait_indirect_dma semaphore(%arg10 : memref<!tpu.dma_semaphore, #tpu.memory_space<semaphore_mem>>) src(%dma_wait3A_122 : memref<128x128xf32, #tpu.memory_space<vmem>>) dst(%dma_wait3A_128 : memref<49152x128xf32, #tpu.memory_space<hbm>>)
    %dma_wait3A_129 = arith.constant 1 : i32
    %dma_wait3A_130 = arith.constant 128 : i32
    %dma_wait3A_131 = arith.constant 0 : i32
    %dma_wait3A_132 = tpu.memref_slice %arg8[%dma_wait3A_130, %dma_wait3A_131] : memref<512x128xf32, #tpu.memory_space<vmem>> -> memref<128x128xf32, #tpu.memory_space<vmem>>
    %dma_wait3A_133 = arith.constant 0 : i32
    %dma_wait3A_134 = tpu.memref_slice %arg7[%dma_wait3A_129, %dma_wait3A_133] : memref<4x128xi32, #tpu.memory_space<vmem>> -> memref<1x128xi32, #tpu.memory_space<vmem>>
    %dma_wait3A_135 = tpu.memref_squeeze %dma_wait3A_134 : memref<1x128xi32, #tpu.memory_space<vmem>> -> memref<128xi32, #tpu.memory_space<vmem>>
    %dma_wait3A_136 = arith.constant 0 : i32
    %dma_wait3A_137 = arith.constant 0 : i32
    %dma_wait3A_138 = tpu.memref_slice %arg5[%dma_wait3A_136, %dma_wait3A_137] : memref<49152x128xf32, #tpu.memory_space<hbm>> -> memref<49152x128xf32, #tpu.memory_space<hbm>>
    tpu.wait_indirect_dma semaphore(%arg10 : memref<!tpu.dma_semaphore, #tpu.memory_space<semaphore_mem>>) src(%dma_wait3A_132 : memref<128x128xf32, #tpu.memory_space<vmem>>) dst(%dma_wait3A_138 : memref<49152x128xf32, #tpu.memory_space<hbm>>)
    %dma_wait3A_139 = arith.constant 2 : i32
    %dma_wait3A_140 = arith.constant 256 : i32
    %dma_wait3A_141 = arith.constant 0 : i32
    %dma_wait3A_142 = tpu.memref_slice %arg8[%dma_wait3A_140, %dma_wait3A_141] : memref<512x128xf32, #tpu.memory_space<vmem>> -> memref<128x128xf32, #tpu.memory_space<vmem>>
    %dma_wait3A_143 = arith.constant 0 : i32
    %dma_wait3A_144 = tpu.memref_slice %arg7[%dma_wait3A_139, %dma_wait3A_143] : memref<4x128xi32, #tpu.memory_space<vmem>> -> memref<1x128xi32, #tpu.memory_space<vmem>>
    %dma_wait3A_145 = tpu.memref_squeeze %dma_wait3A_144 : memref<1x128xi32, #tpu.memory_space<vmem>> -> memref<128xi32, #tpu.memory_space<vmem>>
    %dma_wait3A_146 = arith.constant 0 : i32
    %dma_wait3A_147 = arith.constant 0 : i32
    %dma_wait3A_148 = tpu.memref_slice %arg5[%dma_wait3A_146, %dma_wait3A_147] : memref<49152x128xf32, #tpu.memory_space<hbm>> -> memref<49152x128xf32, #tpu.memory_space<hbm>>
    tpu.wait_indirect_dma semaphore(%arg10 : memref<!tpu.dma_semaphore, #tpu.memory_space<semaphore_mem>>) src(%dma_wait3A_142 : memref<128x128xf32, #tpu.memory_space<vmem>>) dst(%dma_wait3A_148 : memref<49152x128xf32, #tpu.memory_space<hbm>>)
    %dma_wait3A_149 = arith.constant 3 : i32
    %dma_wait3A_150 = arith.constant 384 : i32
    %dma_wait3A_151 = arith.constant 0 : i32
    %dma_wait3A_152 = tpu.memref_slice %arg8[%dma_wait3A_150, %dma_wait3A_151] : memref<512x128xf32, #tpu.memory_space<vmem>> -> memref<128x128xf32, #tpu.memory_space<vmem>>
    %dma_wait3A_153 = arith.constant 0 : i32
    %dma_wait3A_154 = tpu.memref_slice %arg7[%dma_wait3A_149, %dma_wait3A_153] : memref<4x128xi32, #tpu.memory_space<vmem>> -> memref<1x128xi32, #tpu.memory_space<vmem>>
    %dma_wait3A_155 = tpu.memref_squeeze %dma_wait3A_154 : memref<1x128xi32, #tpu.memory_space<vmem>> -> memref<128xi32, #tpu.memory_space<vmem>>
    %dma_wait3A_156 = arith.constant 0 : i32
    %dma_wait3A_157 = arith.constant 0 : i32
    %dma_wait3A_158 = tpu.memref_slice %arg5[%dma_wait3A_156, %dma_wait3A_157] : memref<49152x128xf32, #tpu.memory_space<hbm>> -> memref<49152x128xf32, #tpu.memory_space<hbm>>
    tpu.wait_indirect_dma semaphore(%arg10 : memref<!tpu.dma_semaphore, #tpu.memory_space<semaphore_mem>>) src(%dma_wait3A_152 : memref<128x128xf32, #tpu.memory_space<vmem>>) dst(%dma_wait3A_158 : memref<49152x128xf32, #tpu.memory_space<hbm>>)
    return
  }
}

module attributes {stable_mosaic.version = 14 : i64} {
  func.func @_mm_body(%arg0: i32, %arg1: memref<1536xi32, #tpu.memory_space<smem>>, %arg2: memref<512x128xf32, #tpu.memory_space<vmem>>, %arg3: memref<1x128x128xf32, #tpu.memory_space<vmem>>, %arg4: memref<1x128x128xf32, #tpu.memory_space<vmem>>, %arg5: memref<1x128x128xf32, #tpu.memory_space<vmem>>, %arg6: memref<1x128x128xf32, #tpu.memory_space<vmem>>, %arg7: memref<1x128x128xf32, #tpu.memory_space<vmem>>, %arg8: memref<1x128x128xf32, #tpu.memory_space<vmem>>, %arg9: memref<1x128x128xf32, #tpu.memory_space<vmem>>, %arg10: memref<1x128x128xf32, #tpu.memory_space<vmem>>, %arg11: memref<1x128x128xf32, #tpu.memory_space<vmem>>, %arg12: memref<1x128x128xf32, #tpu.memory_space<vmem>>, %arg13: memref<1x128x128xf32, #tpu.memory_space<vmem>>, %arg14: memref<1x128x128xf32, #tpu.memory_space<vmem>>, %arg15: memref<1x128x128xf32, #tpu.memory_space<vmem>>, %arg16: memref<1x128x128xf32, #tpu.memory_space<vmem>>, %arg17: memref<1x128x128xf32, #tpu.memory_space<vmem>>, %arg18: memref<1x128x128xf32, #tpu.memory_space<vmem>>, %arg19: memref<512x128xf32, #tpu.memory_space<vmem>>) attributes {dimension_semantics = [#tpu.dimension_semantics<arbitrary>], iteration_bounds = array<i64: 96>, scalar_prefetch = 1 : i64, scratch_operands = 0 : i64, tpu.core_type = #tpu.core_type<tc>, window_params = [{transform_indices = @transform_0, window_bounds = array<i64: 512, 128>}, {transform_indices = @transform_1, window_bounds = array<i64: 1, 128, 128>}, {transform_indices = @transform_2, window_bounds = array<i64: 1, 128, 128>}, {transform_indices = @transform_3, window_bounds = array<i64: 1, 128, 128>}, {transform_indices = @transform_4, window_bounds = array<i64: 1, 128, 128>}, {transform_indices = @transform_5, window_bounds = array<i64: 1, 128, 128>}, {transform_indices = @transform_6, window_bounds = array<i64: 1, 128, 128>}, {transform_indices = @transform_7, window_bounds = array<i64: 1, 128, 128>}, {transform_indices = @transform_8, window_bounds = array<i64: 1, 128, 128>}, {transform_indices = @transform_9, window_bounds = array<i64: 1, 128, 128>}, {transform_indices = @transform_10, window_bounds = array<i64: 1, 128, 128>}, {transform_indices = @transform_11, window_bounds = array<i64: 1, 128, 128>}, {transform_indices = @transform_12, window_bounds = array<i64: 1, 128, 128>}, {transform_indices = @transform_13, window_bounds = array<i64: 1, 128, 128>}, {transform_indices = @transform_14, window_bounds = array<i64: 1, 128, 128>}, {transform_indices = @transform_15, window_bounds = array<i64: 1, 128, 128>}, {transform_indices = @transform_16, window_bounds = array<i64: 1, 128, 128>}, {transform_indices = @transform_17, window_bounds = array<i64: 512, 128>}]} {
    %get3A = arith.constant 0 : index
    %get3A_0 = arith.constant 0 : index
    %get3A_1 = vector.load %arg2[%get3A, %get3A_0] : memref<512x128xf32, #tpu.memory_space<vmem>>, vector<32x128xf32>
    %get3A_2 = arith.constant 0 : index
    %get3A_3 = arith.constant 0 : index
    %get3A_4 = arith.constant 0 : index
    %get3A_5 = vector.load %arg3[%get3A_2, %get3A_3, %get3A_4] : memref<1x128x128xf32, #tpu.memory_space<vmem>>, vector<1x128x128xf32>
    %get3A_6 = vector.shape_cast %get3A_5 : vector<1x128x128xf32> to vector<128x128xf32>
    %dot_general3A = arith.constant dense<0.000000e+00> : vector<32x128xf32>
    %dot_general3A_7 = tpu.matmul %get3A_1, %get3A_6, %dot_general3A {dimension_numbers = #tpu.dot_dimension_numbers<[1], [1], [0], [0], [0, 0, 1, 0], [], []>, transpose_lhs_hint = false} : vector<32x128xf32>, vector<128x128xf32>, vector<32x128xf32> -> vector<32x128xf32>
    %swap3A = arith.constant 0 : index
    %swap3A_8 = arith.constant 0 : index
    %swap3A_9 = vector.load %arg19[%swap3A, %swap3A_8] : memref<512x128xf32, #tpu.memory_space<vmem>>, vector<32x128xf32>
    tpu.vector_store %arg19[%swap3A, %swap3A_8], %dot_general3A_7 {strides = array<i32>} : memref<512x128xf32, #tpu.memory_space<vmem>>, vector<32x128xf32>,
    %get3A_10 = arith.constant 32 : index
    %get3A_11 = arith.constant 0 : index
    %get3A_12 = vector.load %arg2[%get3A_10, %get3A_11] : memref<512x128xf32, #tpu.memory_space<vmem>>, vector<32x128xf32>
    %get3A_13 = arith.constant 0 : index
    %get3A_14 = arith.constant 0 : index
    %get3A_15 = arith.constant 0 : index
    %get3A_16 = vector.load %arg4[%get3A_13, %get3A_14, %get3A_15] : memref<1x128x128xf32, #tpu.memory_space<vmem>>, vector<1x128x128xf32>
    %get3A_17 = vector.shape_cast %get3A_16 : vector<1x128x128xf32> to vector<128x128xf32>
    %dot_general3A_18 = arith.constant dense<0.000000e+00> : vector<32x128xf32>
    %dot_general3A_19 = tpu.matmul %get3A_12, %get3A_17, %dot_general3A_18 {dimension_numbers = #tpu.dot_dimension_numbers<[1], [1], [0], [0], [0, 0, 1, 0], [], []>, transpose_lhs_hint = false} : vector<32x128xf32>, vector<128x128xf32>, vector<32x128xf32> -> vector<32x128xf32>
    %swap3A_20 = arith.constant 32 : index
    %swap3A_21 = arith.constant 0 : index
    %swap3A_22 = vector.load %arg19[%swap3A_20, %swap3A_21] : memref<512x128xf32, #tpu.memory_space<vmem>>, vector<32x128xf32>
    tpu.vector_store %arg19[%swap3A_20, %swap3A_21], %dot_general3A_19 {strides = array<i32>} : memref<512x128xf32, #tpu.memory_space<vmem>>, vector<32x128xf32>,
    %get3A_23 = arith.constant 64 : index
    %get3A_24 = arith.constant 0 : index
    %get3A_25 = vector.load %arg2[%get3A_23, %get3A_24] : memref<512x128xf32, #tpu.memory_space<vmem>>, vector<32x128xf32>
    %get3A_26 = arith.constant 0 : index
    %get3A_27 = arith.constant 0 : index
    %get3A_28 = arith.constant 0 : index
    %get3A_29 = vector.load %arg5[%get3A_26, %get3A_27, %get3A_28] : memref<1x128x128xf32, #tpu.memory_space<vmem>>, vector<1x128x128xf32>
    %get3A_30 = vector.shape_cast %get3A_29 : vector<1x128x128xf32> to vector<128x128xf32>
    %dot_general3A_31 = arith.constant dense<0.000000e+00> : vector<32x128xf32>
    %dot_general3A_32 = tpu.matmul %get3A_25, %get3A_30, %dot_general3A_31 {dimension_numbers = #tpu.dot_dimension_numbers<[1], [1], [0], [0], [0, 0, 1, 0], [], []>, transpose_lhs_hint = false} : vector<32x128xf32>, vector<128x128xf32>, vector<32x128xf32> -> vector<32x128xf32>
    %swap3A_33 = arith.constant 64 : index
    %swap3A_34 = arith.constant 0 : index
    %swap3A_35 = vector.load %arg19[%swap3A_33, %swap3A_34] : memref<512x128xf32, #tpu.memory_space<vmem>>, vector<32x128xf32>
    tpu.vector_store %arg19[%swap3A_33, %swap3A_34], %dot_general3A_32 {strides = array<i32>} : memref<512x128xf32, #tpu.memory_space<vmem>>, vector<32x128xf32>,
    %get3A_36 = arith.constant 96 : index
    %get3A_37 = arith.constant 0 : index
    %get3A_38 = vector.load %arg2[%get3A_36, %get3A_37] : memref<512x128xf32, #tpu.memory_space<vmem>>, vector<32x128xf32>
    %get3A_39 = arith.constant 0 : index
    %get3A_40 = arith.constant 0 : index
    %get3A_41 = arith.constant 0 : index
    %get3A_42 = vector.load %arg6[%get3A_39, %get3A_40, %get3A_41] : memref<1x128x128xf32, #tpu.memory_space<vmem>>, vector<1x128x128xf32>
    %get3A_43 = vector.shape_cast %get3A_42 : vector<1x128x128xf32> to vector<128x128xf32>
    %dot_general3A_44 = arith.constant dense<0.000000e+00> : vector<32x128xf32>
    %dot_general3A_45 = tpu.matmul %get3A_38, %get3A_43, %dot_general3A_44 {dimension_numbers = #tpu.dot_dimension_numbers<[1], [1], [0], [0], [0, 0, 1, 0], [], []>, transpose_lhs_hint = false} : vector<32x128xf32>, vector<128x128xf32>, vector<32x128xf32> -> vector<32x128xf32>
    %swap3A_46 = arith.constant 96 : index
    %swap3A_47 = arith.constant 0 : index
    %swap3A_48 = vector.load %arg19[%swap3A_46, %swap3A_47] : memref<512x128xf32, #tpu.memory_space<vmem>>, vector<32x128xf32>
    tpu.vector_store %arg19[%swap3A_46, %swap3A_47], %dot_general3A_45 {strides = array<i32>} : memref<512x128xf32, #tpu.memory_space<vmem>>, vector<32x128xf32>,
    %get3A_49 = arith.constant 128 : index
    %get3A_50 = arith.constant 0 : index
    %get3A_51 = vector.load %arg2[%get3A_49, %get3A_50] : memref<512x128xf32, #tpu.memory_space<vmem>>, vector<32x128xf32>
    %get3A_52 = arith.constant 0 : index
    %get3A_53 = arith.constant 0 : index
    %get3A_54 = arith.constant 0 : index
    %get3A_55 = vector.load %arg7[%get3A_52, %get3A_53, %get3A_54] : memref<1x128x128xf32, #tpu.memory_space<vmem>>, vector<1x128x128xf32>
    %get3A_56 = vector.shape_cast %get3A_55 : vector<1x128x128xf32> to vector<128x128xf32>
    %dot_general3A_57 = arith.constant dense<0.000000e+00> : vector<32x128xf32>
    %dot_general3A_58 = tpu.matmul %get3A_51, %get3A_56, %dot_general3A_57 {dimension_numbers = #tpu.dot_dimension_numbers<[1], [1], [0], [0], [0, 0, 1, 0], [], []>, transpose_lhs_hint = false} : vector<32x128xf32>, vector<128x128xf32>, vector<32x128xf32> -> vector<32x128xf32>
    %swap3A_59 = arith.constant 128 : index
    %swap3A_60 = arith.constant 0 : index
    %swap3A_61 = vector.load %arg19[%swap3A_59, %swap3A_60] : memref<512x128xf32, #tpu.memory_space<vmem>>, vector<32x128xf32>
    tpu.vector_store %arg19[%swap3A_59, %swap3A_60], %dot_general3A_58 {strides = array<i32>} : memref<512x128xf32, #tpu.memory_space<vmem>>, vector<32x128xf32>,
    %get3A_62 = arith.constant 160 : index
    %get3A_63 = arith.constant 0 : index
    %get3A_64 = vector.load %arg2[%get3A_62, %get3A_63] : memref<512x128xf32, #tpu.memory_space<vmem>>, vector<32x128xf32>
    %get3A_65 = arith.constant 0 : index
    %get3A_66 = arith.constant 0 : index
    %get3A_67 = arith.constant 0 : index
    %get3A_68 = vector.load %arg8[%get3A_65, %get3A_66, %get3A_67] : memref<1x128x128xf32, #tpu.memory_space<vmem>>, vector<1x128x128xf32>
    %get3A_69 = vector.shape_cast %get3A_68 : vector<1x128x128xf32> to vector<128x128xf32>
    %dot_general3A_70 = arith.constant dense<0.000000e+00> : vector<32x128xf32>
    %dot_general3A_71 = tpu.matmul %get3A_64, %get3A_69, %dot_general3A_70 {dimension_numbers = #tpu.dot_dimension_numbers<[1], [1], [0], [0], [0, 0, 1, 0], [], []>, transpose_lhs_hint = false} : vector<32x128xf32>, vector<128x128xf32>, vector<32x128xf32> -> vector<32x128xf32>
    %swap3A_72 = arith.constant 160 : index
    %swap3A_73 = arith.constant 0 : index
    %swap3A_74 = vector.load %arg19[%swap3A_72, %swap3A_73] : memref<512x128xf32, #tpu.memory_space<vmem>>, vector<32x128xf32>
    tpu.vector_store %arg19[%swap3A_72, %swap3A_73], %dot_general3A_71 {strides = array<i32>} : memref<512x128xf32, #tpu.memory_space<vmem>>, vector<32x128xf32>,
    %get3A_75 = arith.constant 192 : index
    %get3A_76 = arith.constant 0 : index
    %get3A_77 = vector.load %arg2[%get3A_75, %get3A_76] : memref<512x128xf32, #tpu.memory_space<vmem>>, vector<32x128xf32>
    %get3A_78 = arith.constant 0 : index
    %get3A_79 = arith.constant 0 : index
    %get3A_80 = arith.constant 0 : index
    %get3A_81 = vector.load %arg9[%get3A_78, %get3A_79, %get3A_80] : memref<1x128x128xf32, #tpu.memory_space<vmem>>, vector<1x128x128xf32>
    %get3A_82 = vector.shape_cast %get3A_81 : vector<1x128x128xf32> to vector<128x128xf32>
    %dot_general3A_83 = arith.constant dense<0.000000e+00> : vector<32x128xf32>
    %dot_general3A_84 = tpu.matmul %get3A_77, %get3A_82, %dot_general3A_83 {dimension_numbers = #tpu.dot_dimension_numbers<[1], [1], [0], [0], [0, 0, 1, 0], [], []>, transpose_lhs_hint = false} : vector<32x128xf32>, vector<128x128xf32>, vector<32x128xf32> -> vector<32x128xf32>
    %swap3A_85 = arith.constant 192 : index
    %swap3A_86 = arith.constant 0 : index
    %swap3A_87 = vector.load %arg19[%swap3A_85, %swap3A_86] : memref<512x128xf32, #tpu.memory_space<vmem>>, vector<32x128xf32>
    tpu.vector_store %arg19[%swap3A_85, %swap3A_86], %dot_general3A_84 {strides = array<i32>} : memref<512x128xf32, #tpu.memory_space<vmem>>, vector<32x128xf32>,
    %get3A_88 = arith.constant 224 : index
    %get3A_89 = arith.constant 0 : index
    %get3A_90 = vector.load %arg2[%get3A_88, %get3A_89] : memref<512x128xf32, #tpu.memory_space<vmem>>, vector<32x128xf32>
    %get3A_91 = arith.constant 0 : index
    %get3A_92 = arith.constant 0 : index
    %get3A_93 = arith.constant 0 : index
    %get3A_94 = vector.load %arg10[%get3A_91, %get3A_92, %get3A_93] : memref<1x128x128xf32, #tpu.memory_space<vmem>>, vector<1x128x128xf32>
    %get3A_95 = vector.shape_cast %get3A_94 : vector<1x128x128xf32> to vector<128x128xf32>
    %dot_general3A_96 = arith.constant dense<0.000000e+00> : vector<32x128xf32>
    %dot_general3A_97 = tpu.matmul %get3A_90, %get3A_95, %dot_general3A_96 {dimension_numbers = #tpu.dot_dimension_numbers<[1], [1], [0], [0], [0, 0, 1, 0], [], []>, transpose_lhs_hint = false} : vector<32x128xf32>, vector<128x128xf32>, vector<32x128xf32> -> vector<32x128xf32>
    %swap3A_98 = arith.constant 224 : index
    %swap3A_99 = arith.constant 0 : index
    %swap3A_100 = vector.load %arg19[%swap3A_98, %swap3A_99] : memref<512x128xf32, #tpu.memory_space<vmem>>, vector<32x128xf32>
    tpu.vector_store %arg19[%swap3A_98, %swap3A_99], %dot_general3A_97 {strides = array<i32>} : memref<512x128xf32, #tpu.memory_space<vmem>>, vector<32x128xf32>,
    %get3A_101 = arith.constant 256 : index
    %get3A_102 = arith.constant 0 : index
    %get3A_103 = vector.load %arg2[%get3A_101, %get3A_102] : memref<512x128xf32, #tpu.memory_space<vmem>>, vector<32x128xf32>
    %get3A_104 = arith.constant 0 : index
    %get3A_105 = arith.constant 0 : index
    %get3A_106 = arith.constant 0 : index
    %get3A_107 = vector.load %arg11[%get3A_104, %get3A_105, %get3A_106] : memref<1x128x128xf32, #tpu.memory_space<vmem>>, vector<1x128x128xf32>
    %get3A_108 = vector.shape_cast %get3A_107 : vector<1x128x128xf32> to vector<128x128xf32>
    %dot_general3A_109 = arith.constant dense<0.000000e+00> : vector<32x128xf32>
    %dot_general3A_110 = tpu.matmul %get3A_103, %get3A_108, %dot_general3A_109 {dimension_numbers = #tpu.dot_dimension_numbers<[1], [1], [0], [0], [0, 0, 1, 0], [], []>, transpose_lhs_hint = false} : vector<32x128xf32>, vector<128x128xf32>, vector<32x128xf32> -> vector<32x128xf32>
    %swap3A_111 = arith.constant 256 : index
    %swap3A_112 = arith.constant 0 : index
    %swap3A_113 = vector.load %arg19[%swap3A_111, %swap3A_112] : memref<512x128xf32, #tpu.memory_space<vmem>>, vector<32x128xf32>
    tpu.vector_store %arg19[%swap3A_111, %swap3A_112], %dot_general3A_110 {strides = array<i32>} : memref<512x128xf32, #tpu.memory_space<vmem>>, vector<32x128xf32>,
    %get3A_114 = arith.constant 288 : index
    %get3A_115 = arith.constant 0 : index
    %get3A_116 = vector.load %arg2[%get3A_114, %get3A_115] : memref<512x128xf32, #tpu.memory_space<vmem>>, vector<32x128xf32>
    %get3A_117 = arith.constant 0 : index
    %get3A_118 = arith.constant 0 : index
    %get3A_119 = arith.constant 0 : index
    %get3A_120 = vector.load %arg12[%get3A_117, %get3A_118, %get3A_119] : memref<1x128x128xf32, #tpu.memory_space<vmem>>, vector<1x128x128xf32>
    %get3A_121 = vector.shape_cast %get3A_120 : vector<1x128x128xf32> to vector<128x128xf32>
    %dot_general3A_122 = arith.constant dense<0.000000e+00> : vector<32x128xf32>
    %dot_general3A_123 = tpu.matmul %get3A_116, %get3A_121, %dot_general3A_122 {dimension_numbers = #tpu.dot_dimension_numbers<[1], [1], [0], [0], [0, 0, 1, 0], [], []>, transpose_lhs_hint = false} : vector<32x128xf32>, vector<128x128xf32>, vector<32x128xf32> -> vector<32x128xf32>
    %swap3A_124 = arith.constant 288 : index
    %swap3A_125 = arith.constant 0 : index
    %swap3A_126 = vector.load %arg19[%swap3A_124, %swap3A_125] : memref<512x128xf32, #tpu.memory_space<vmem>>, vector<32x128xf32>
    tpu.vector_store %arg19[%swap3A_124, %swap3A_125], %dot_general3A_123 {strides = array<i32>} : memref<512x128xf32, #tpu.memory_space<vmem>>, vector<32x128xf32>,
    %get3A_127 = arith.constant 320 : index
    %get3A_128 = arith.constant 0 : index
    %get3A_129 = vector.load %arg2[%get3A_127, %get3A_128] : memref<512x128xf32, #tpu.memory_space<vmem>>, vector<32x128xf32>
    %get3A_130 = arith.constant 0 : index
    %get3A_131 = arith.constant 0 : index
    %get3A_132 = arith.constant 0 : index
    %get3A_133 = vector.load %arg13[%get3A_130, %get3A_131, %get3A_132] : memref<1x128x128xf32, #tpu.memory_space<vmem>>, vector<1x128x128xf32>
    %get3A_134 = vector.shape_cast %get3A_133 : vector<1x128x128xf32> to vector<128x128xf32>
    %dot_general3A_135 = arith.constant dense<0.000000e+00> : vector<32x128xf32>
    %dot_general3A_136 = tpu.matmul %get3A_129, %get3A_134, %dot_general3A_135 {dimension_numbers = #tpu.dot_dimension_numbers<[1], [1], [0], [0], [0, 0, 1, 0], [], []>, transpose_lhs_hint = false} : vector<32x128xf32>, vector<128x128xf32>, vector<32x128xf32> -> vector<32x128xf32>
    %swap3A_137 = arith.constant 320 : index
    %swap3A_138 = arith.constant 0 : index
    %swap3A_139 = vector.load %arg19[%swap3A_137, %swap3A_138] : memref<512x128xf32, #tpu.memory_space<vmem>>, vector<32x128xf32>
    tpu.vector_store %arg19[%swap3A_137, %swap3A_138], %dot_general3A_136 {strides = array<i32>} : memref<512x128xf32, #tpu.memory_space<vmem>>, vector<32x128xf32>,
    %get3A_140 = arith.constant 352 : index
    %get3A_141 = arith.constant 0 : index
    %get3A_142 = vector.load %arg2[%get3A_140, %get3A_141] : memref<512x128xf32, #tpu.memory_space<vmem>>, vector<32x128xf32>
    %get3A_143 = arith.constant 0 : index
    %get3A_144 = arith.constant 0 : index
    %get3A_145 = arith.constant 0 : index
    %get3A_146 = vector.load %arg14[%get3A_143, %get3A_144, %get3A_145] : memref<1x128x128xf32, #tpu.memory_space<vmem>>, vector<1x128x128xf32>
    %get3A_147 = vector.shape_cast %get3A_146 : vector<1x128x128xf32> to vector<128x128xf32>
    %dot_general3A_148 = arith.constant dense<0.000000e+00> : vector<32x128xf32>
    %dot_general3A_149 = tpu.matmul %get3A_142, %get3A_147, %dot_general3A_148 {dimension_numbers = #tpu.dot_dimension_numbers<[1], [1], [0], [0], [0, 0, 1, 0], [], []>, transpose_lhs_hint = false} : vector<32x128xf32>, vector<128x128xf32>, vector<32x128xf32> -> vector<32x128xf32>
    %swap3A_150 = arith.constant 352 : index
    %swap3A_151 = arith.constant 0 : index
    %swap3A_152 = vector.load %arg19[%swap3A_150, %swap3A_151] : memref<512x128xf32, #tpu.memory_space<vmem>>, vector<32x128xf32>
    tpu.vector_store %arg19[%swap3A_150, %swap3A_151], %dot_general3A_149 {strides = array<i32>} : memref<512x128xf32, #tpu.memory_space<vmem>>, vector<32x128xf32>,
    %get3A_153 = arith.constant 384 : index
    %get3A_154 = arith.constant 0 : index
    %get3A_155 = vector.load %arg2[%get3A_153, %get3A_154] : memref<512x128xf32, #tpu.memory_space<vmem>>, vector<32x128xf32>
    %get3A_156 = arith.constant 0 : index
    %get3A_157 = arith.constant 0 : index
    %get3A_158 = arith.constant 0 : index
    %get3A_159 = vector.load %arg15[%get3A_156, %get3A_157, %get3A_158] : memref<1x128x128xf32, #tpu.memory_space<vmem>>, vector<1x128x128xf32>
    %get3A_160 = vector.shape_cast %get3A_159 : vector<1x128x128xf32> to vector<128x128xf32>
    %dot_general3A_161 = arith.constant dense<0.000000e+00> : vector<32x128xf32>
    %dot_general3A_162 = tpu.matmul %get3A_155, %get3A_160, %dot_general3A_161 {dimension_numbers = #tpu.dot_dimension_numbers<[1], [1], [0], [0], [0, 0, 1, 0], [], []>, transpose_lhs_hint = false} : vector<32x128xf32>, vector<128x128xf32>, vector<32x128xf32> -> vector<32x128xf32>
    %swap3A_163 = arith.constant 384 : index
    %swap3A_164 = arith.constant 0 : index
    %swap3A_165 = vector.load %arg19[%swap3A_163, %swap3A_164] : memref<512x128xf32, #tpu.memory_space<vmem>>, vector<32x128xf32>
    tpu.vector_store %arg19[%swap3A_163, %swap3A_164], %dot_general3A_162 {strides = array<i32>} : memref<512x128xf32, #tpu.memory_space<vmem>>, vector<32x128xf32>,
    %get3A_166 = arith.constant 416 : index
    %get3A_167 = arith.constant 0 : index
    %get3A_168 = vector.load %arg2[%get3A_166, %get3A_167] : memref<512x128xf32, #tpu.memory_space<vmem>>, vector<32x128xf32>
    %get3A_169 = arith.constant 0 : index
    %get3A_170 = arith.constant 0 : index
    %get3A_171 = arith.constant 0 : index
    %get3A_172 = vector.load %arg16[%get3A_169, %get3A_170, %get3A_171] : memref<1x128x128xf32, #tpu.memory_space<vmem>>, vector<1x128x128xf32>
    %get3A_173 = vector.shape_cast %get3A_172 : vector<1x128x128xf32> to vector<128x128xf32>
    %dot_general3A_174 = arith.constant dense<0.000000e+00> : vector<32x128xf32>
    %dot_general3A_175 = tpu.matmul %get3A_168, %get3A_173, %dot_general3A_174 {dimension_numbers = #tpu.dot_dimension_numbers<[1], [1], [0], [0], [0, 0, 1, 0], [], []>, transpose_lhs_hint = false} : vector<32x128xf32>, vector<128x128xf32>, vector<32x128xf32> -> vector<32x128xf32>
    %swap3A_176 = arith.constant 416 : index
    %swap3A_177 = arith.constant 0 : index
    %swap3A_178 = vector.load %arg19[%swap3A_176, %swap3A_177] : memref<512x128xf32, #tpu.memory_space<vmem>>, vector<32x128xf32>
    tpu.vector_store %arg19[%swap3A_176, %swap3A_177], %dot_general3A_175 {strides = array<i32>} : memref<512x128xf32, #tpu.memory_space<vmem>>, vector<32x128xf32>,
    %get3A_179 = arith.constant 448 : index
    %get3A_180 = arith.constant 0 : index
    %get3A_181 = vector.load %arg2[%get3A_179, %get3A_180] : memref<512x128xf32, #tpu.memory_space<vmem>>, vector<32x128xf32>
    %get3A_182 = arith.constant 0 : index
    %get3A_183 = arith.constant 0 : index
    %get3A_184 = arith.constant 0 : index
    %get3A_185 = vector.load %arg17[%get3A_182, %get3A_183, %get3A_184] : memref<1x128x128xf32, #tpu.memory_space<vmem>>, vector<1x128x128xf32>
    %get3A_186 = vector.shape_cast %get3A_185 : vector<1x128x128xf32> to vector<128x128xf32>
    %dot_general3A_187 = arith.constant dense<0.000000e+00> : vector<32x128xf32>
    %dot_general3A_188 = tpu.matmul %get3A_181, %get3A_186, %dot_general3A_187 {dimension_numbers = #tpu.dot_dimension_numbers<[1], [1], [0], [0], [0, 0, 1, 0], [], []>, transpose_lhs_hint = false} : vector<32x128xf32>, vector<128x128xf32>, vector<32x128xf32> -> vector<32x128xf32>
    %swap3A_189 = arith.constant 448 : index
    %swap3A_190 = arith.constant 0 : index
    %swap3A_191 = vector.load %arg19[%swap3A_189, %swap3A_190] : memref<512x128xf32, #tpu.memory_space<vmem>>, vector<32x128xf32>
    tpu.vector_store %arg19[%swap3A_189, %swap3A_190], %dot_general3A_188 {strides = array<i32>} : memref<512x128xf32, #tpu.memory_space<vmem>>, vector<32x128xf32>,
    %get3A_192 = arith.constant 480 : index
    %get3A_193 = arith.constant 0 : index
    %get3A_194 = vector.load %arg2[%get3A_192, %get3A_193] : memref<512x128xf32, #tpu.memory_space<vmem>>, vector<32x128xf32>
    %get3A_195 = arith.constant 0 : index
    %get3A_196 = arith.constant 0 : index
    %get3A_197 = arith.constant 0 : index
    %get3A_198 = vector.load %arg18[%get3A_195, %get3A_196, %get3A_197] : memref<1x128x128xf32, #tpu.memory_space<vmem>>, vector<1x128x128xf32>
    %get3A_199 = vector.shape_cast %get3A_198 : vector<1x128x128xf32> to vector<128x128xf32>
    %dot_general3A_200 = arith.constant dense<0.000000e+00> : vector<32x128xf32>
    %dot_general3A_201 = tpu.matmul %get3A_194, %get3A_199, %dot_general3A_200 {dimension_numbers = #tpu.dot_dimension_numbers<[1], [1], [0], [0], [0, 0, 1, 0], [], []>, transpose_lhs_hint = false} : vector<32x128xf32>, vector<128x128xf32>, vector<32x128xf32> -> vector<32x128xf32>
    %swap3A_202 = arith.constant 480 : index
    %swap3A_203 = arith.constant 0 : index
    %swap3A_204 = vector.load %arg19[%swap3A_202, %swap3A_203] : memref<512x128xf32, #tpu.memory_space<vmem>>, vector<32x128xf32>
    tpu.vector_store %arg19[%swap3A_202, %swap3A_203], %dot_general3A_201 {strides = array<i32>} : memref<512x128xf32, #tpu.memory_space<vmem>>, vector<32x128xf32>,
    return
  }
  func.func @transform_0(%arg0: i32, %arg1: memref<1536xi32, #tpu.memory_space<smem>>) -> (i32, i32) {
    %c0_i32 = arith.constant 0 : i32
    %c0_i32_0 = arith.constant 0 : i32
    return %arg0, %c0_i32 : i32, i32
  }
  func.func @transform_1(%arg0: i32, %arg1: memref<1536xi32, #tpu.memory_space<smem>>) -> (i32, i32, i32) {
    %mul3A = arith.constant 16 : i32
    %mul3A_0 = arith.muli %arg0, %mul3A : i32
    %add3A = arith.constant 0 : i32
    %add3A_1 = arith.addi %mul3A_0, %add3A : i32
    %get3A = arith.index_cast %add3A_1 : i32 to index
    %get3A_2 = memref.load %arg1[%get3A] : memref<1536xi32, #tpu.memory_space<smem>>
    %c0_i32 = arith.constant 0 : i32
    %c0_i32_3 = arith.constant 0 : i32
    %c0_i32_4 = arith.constant 0 : i32
    return %get3A_2, %c0_i32, %c0_i32_3 : i32, i32, i32
  }
  func.func @transform_2(%arg0: i32, %arg1: memref<1536xi32, #tpu.memory_space<smem>>) -> (i32, i32, i32) {
    %mul3A = arith.constant 16 : i32
    %mul3A_0 = arith.muli %arg0, %mul3A : i32
    %add3A = arith.constant 1 : i32
    %add3A_1 = arith.addi %mul3A_0, %add3A : i32
    %get3A = arith.index_cast %add3A_1 : i32 to index
    %get3A_2 = memref.load %arg1[%get3A] : memref<1536xi32, #tpu.memory_space<smem>>
    %c0_i32 = arith.constant 0 : i32
    %c0_i32_3 = arith.constant 0 : i32
    %c0_i32_4 = arith.constant 0 : i32
    return %get3A_2, %c0_i32, %c0_i32_3 : i32, i32, i32
  }
  func.func @transform_3(%arg0: i32, %arg1: memref<1536xi32, #tpu.memory_space<smem>>) -> (i32, i32, i32) {
    %mul3A = arith.constant 16 : i32
    %mul3A_0 = arith.muli %arg0, %mul3A : i32
    %add3A = arith.constant 2 : i32
    %add3A_1 = arith.addi %mul3A_0, %add3A : i32
    %get3A = arith.index_cast %add3A_1 : i32 to index
    %get3A_2 = memref.load %arg1[%get3A] : memref<1536xi32, #tpu.memory_space<smem>>
    %c0_i32 = arith.constant 0 : i32
    %c0_i32_3 = arith.constant 0 : i32
    %c0_i32_4 = arith.constant 0 : i32
    return %get3A_2, %c0_i32, %c0_i32_3 : i32, i32, i32
  }
  func.func @transform_4(%arg0: i32, %arg1: memref<1536xi32, #tpu.memory_space<smem>>) -> (i32, i32, i32) {
    %mul3A = arith.constant 16 : i32
    %mul3A_0 = arith.muli %arg0, %mul3A : i32
    %add3A = arith.constant 3 : i32
    %add3A_1 = arith.addi %mul3A_0, %add3A : i32
    %get3A = arith.index_cast %add3A_1 : i32 to index
    %get3A_2 = memref.load %arg1[%get3A] : memref<1536xi32, #tpu.memory_space<smem>>
    %c0_i32 = arith.constant 0 : i32
    %c0_i32_3 = arith.constant 0 : i32
    %c0_i32_4 = arith.constant 0 : i32
    return %get3A_2, %c0_i32, %c0_i32_3 : i32, i32, i32
  }
  func.func @transform_5(%arg0: i32, %arg1: memref<1536xi32, #tpu.memory_space<smem>>) -> (i32, i32, i32) {
    %mul3A = arith.constant 16 : i32
    %mul3A_0 = arith.muli %arg0, %mul3A : i32
    %add3A = arith.constant 4 : i32
    %add3A_1 = arith.addi %mul3A_0, %add3A : i32
    %get3A = arith.index_cast %add3A_1 : i32 to index
    %get3A_2 = memref.load %arg1[%get3A] : memref<1536xi32, #tpu.memory_space<smem>>
    %c0_i32 = arith.constant 0 : i32
    %c0_i32_3 = arith.constant 0 : i32
    %c0_i32_4 = arith.constant 0 : i32
    return %get3A_2, %c0_i32, %c0_i32_3 : i32, i32, i32
  }
  func.func @transform_6(%arg0: i32, %arg1: memref<1536xi32, #tpu.memory_space<smem>>) -> (i32, i32, i32) {
    %mul3A = arith.constant 16 : i32
    %mul3A_0 = arith.muli %arg0, %mul3A : i32
    %add3A = arith.constant 5 : i32
    %add3A_1 = arith.addi %mul3A_0, %add3A : i32
    %get3A = arith.index_cast %add3A_1 : i32 to index
    %get3A_2 = memref.load %arg1[%get3A] : memref<1536xi32, #tpu.memory_space<smem>>
    %c0_i32 = arith.constant 0 : i32
    %c0_i32_3 = arith.constant 0 : i32
    %c0_i32_4 = arith.constant 0 : i32
    return %get3A_2, %c0_i32, %c0_i32_3 : i32, i32, i32
  }
  func.func @transform_7(%arg0: i32, %arg1: memref<1536xi32, #tpu.memory_space<smem>>) -> (i32, i32, i32) {
    %mul3A = arith.constant 16 : i32
    %mul3A_0 = arith.muli %arg0, %mul3A : i32
    %add3A = arith.constant 6 : i32
    %add3A_1 = arith.addi %mul3A_0, %add3A : i32
    %get3A = arith.index_cast %add3A_1 : i32 to index
    %get3A_2 = memref.load %arg1[%get3A] : memref<1536xi32, #tpu.memory_space<smem>>
    %c0_i32 = arith.constant 0 : i32
    %c0_i32_3 = arith.constant 0 : i32
    %c0_i32_4 = arith.constant 0 : i32
    return %get3A_2, %c0_i32, %c0_i32_3 : i32, i32, i32
  }
  func.func @transform_8(%arg0: i32, %arg1: memref<1536xi32, #tpu.memory_space<smem>>) -> (i32, i32, i32) {
    %mul3A = arith.constant 16 : i32
    %mul3A_0 = arith.muli %arg0, %mul3A : i32
    %add3A = arith.constant 7 : i32
    %add3A_1 = arith.addi %mul3A_0, %add3A : i32
    %get3A = arith.index_cast %add3A_1 : i32 to index
    %get3A_2 = memref.load %arg1[%get3A] : memref<1536xi32, #tpu.memory_space<smem>>
    %c0_i32 = arith.constant 0 : i32
    %c0_i32_3 = arith.constant 0 : i32
    %c0_i32_4 = arith.constant 0 : i32
    return %get3A_2, %c0_i32, %c0_i32_3 : i32, i32, i32
  }
  func.func @transform_9(%arg0: i32, %arg1: memref<1536xi32, #tpu.memory_space<smem>>) -> (i32, i32, i32) {
    %mul3A = arith.constant 16 : i32
    %mul3A_0 = arith.muli %arg0, %mul3A : i32
    %add3A = arith.constant 8 : i32
    %add3A_1 = arith.addi %mul3A_0, %add3A : i32
    %get3A = arith.index_cast %add3A_1 : i32 to index
    %get3A_2 = memref.load %arg1[%get3A] : memref<1536xi32, #tpu.memory_space<smem>>
    %c0_i32 = arith.constant 0 : i32
    %c0_i32_3 = arith.constant 0 : i32
    %c0_i32_4 = arith.constant 0 : i32
    return %get3A_2, %c0_i32, %c0_i32_3 : i32, i32, i32
  }
  func.func @transform_10(%arg0: i32, %arg1: memref<1536xi32, #tpu.memory_space<smem>>) -> (i32, i32, i32) {
    %mul3A = arith.constant 16 : i32
    %mul3A_0 = arith.muli %arg0, %mul3A : i32
    %add3A = arith.constant 9 : i32
    %add3A_1 = arith.addi %mul3A_0, %add3A : i32
    %get3A = arith.index_cast %add3A_1 : i32 to index
    %get3A_2 = memref.load %arg1[%get3A] : memref<1536xi32, #tpu.memory_space<smem>>
    %c0_i32 = arith.constant 0 : i32
    %c0_i32_3 = arith.constant 0 : i32
    %c0_i32_4 = arith.constant 0 : i32
    return %get3A_2, %c0_i32, %c0_i32_3 : i32, i32, i32
  }
  func.func @transform_11(%arg0: i32, %arg1: memref<1536xi32, #tpu.memory_space<smem>>) -> (i32, i32, i32) {
    %mul3A = arith.constant 16 : i32
    %mul3A_0 = arith.muli %arg0, %mul3A : i32
    %add3A = arith.constant 10 : i32
    %add3A_1 = arith.addi %mul3A_0, %add3A : i32
    %get3A = arith.index_cast %add3A_1 : i32 to index
    %get3A_2 = memref.load %arg1[%get3A] : memref<1536xi32, #tpu.memory_space<smem>>
    %c0_i32 = arith.constant 0 : i32
    %c0_i32_3 = arith.constant 0 : i32
    %c0_i32_4 = arith.constant 0 : i32
    return %get3A_2, %c0_i32, %c0_i32_3 : i32, i32, i32
  }
  func.func @transform_12(%arg0: i32, %arg1: memref<1536xi32, #tpu.memory_space<smem>>) -> (i32, i32, i32) {
    %mul3A = arith.constant 16 : i32
    %mul3A_0 = arith.muli %arg0, %mul3A : i32
    %add3A = arith.constant 11 : i32
    %add3A_1 = arith.addi %mul3A_0, %add3A : i32
    %get3A = arith.index_cast %add3A_1 : i32 to index
    %get3A_2 = memref.load %arg1[%get3A] : memref<1536xi32, #tpu.memory_space<smem>>
    %c0_i32 = arith.constant 0 : i32
    %c0_i32_3 = arith.constant 0 : i32
    %c0_i32_4 = arith.constant 0 : i32
    return %get3A_2, %c0_i32, %c0_i32_3 : i32, i32, i32
  }
  func.func @transform_13(%arg0: i32, %arg1: memref<1536xi32, #tpu.memory_space<smem>>) -> (i32, i32, i32) {
    %mul3A = arith.constant 16 : i32
    %mul3A_0 = arith.muli %arg0, %mul3A : i32
    %add3A = arith.constant 12 : i32
    %add3A_1 = arith.addi %mul3A_0, %add3A : i32
    %get3A = arith.index_cast %add3A_1 : i32 to index
    %get3A_2 = memref.load %arg1[%get3A] : memref<1536xi32, #tpu.memory_space<smem>>
    %c0_i32 = arith.constant 0 : i32
    %c0_i32_3 = arith.constant 0 : i32
    %c0_i32_4 = arith.constant 0 : i32
    return %get3A_2, %c0_i32, %c0_i32_3 : i32, i32, i32
  }
  func.func @transform_14(%arg0: i32, %arg1: memref<1536xi32, #tpu.memory_space<smem>>) -> (i32, i32, i32) {
    %mul3A = arith.constant 16 : i32
    %mul3A_0 = arith.muli %arg0, %mul3A : i32
    %add3A = arith.constant 13 : i32
    %add3A_1 = arith.addi %mul3A_0, %add3A : i32
    %get3A = arith.index_cast %add3A_1 : i32 to index
    %get3A_2 = memref.load %arg1[%get3A] : memref<1536xi32, #tpu.memory_space<smem>>
    %c0_i32 = arith.constant 0 : i32
    %c0_i32_3 = arith.constant 0 : i32
    %c0_i32_4 = arith.constant 0 : i32
    return %get3A_2, %c0_i32, %c0_i32_3 : i32, i32, i32
  }
  func.func @transform_15(%arg0: i32, %arg1: memref<1536xi32, #tpu.memory_space<smem>>) -> (i32, i32, i32) {
    %mul3A = arith.constant 16 : i32
    %mul3A_0 = arith.muli %arg0, %mul3A : i32
    %add3A = arith.constant 14 : i32
    %add3A_1 = arith.addi %mul3A_0, %add3A : i32
    %get3A = arith.index_cast %add3A_1 : i32 to index
    %get3A_2 = memref.load %arg1[%get3A] : memref<1536xi32, #tpu.memory_space<smem>>
    %c0_i32 = arith.constant 0 : i32
    %c0_i32_3 = arith.constant 0 : i32
    %c0_i32_4 = arith.constant 0 : i32
    return %get3A_2, %c0_i32, %c0_i32_3 : i32, i32, i32
  }
  func.func @transform_16(%arg0: i32, %arg1: memref<1536xi32, #tpu.memory_space<smem>>) -> (i32, i32, i32) {
    %mul3A = arith.constant 16 : i32
    %mul3A_0 = arith.muli %arg0, %mul3A : i32
    %add3A = arith.constant 15 : i32
    %add3A_1 = arith.addi %mul3A_0, %add3A : i32
    %get3A = arith.index_cast %add3A_1 : i32 to index
    %get3A_2 = memref.load %arg1[%get3A] : memref<1536xi32, #tpu.memory_space<smem>>
    %c0_i32 = arith.constant 0 : i32
    %c0_i32_3 = arith.constant 0 : i32
    %c0_i32_4 = arith.constant 0 : i32
    return %get3A_2, %c0_i32, %c0_i32_3 : i32, i32, i32
  }
  func.func @transform_17(%arg0: i32, %arg1: memref<1536xi32, #tpu.memory_space<smem>>) -> (i32, i32) {
    %c0_i32 = arith.constant 0 : i32
    %c0_i32_0 = arith.constant 0 : i32
    return %arg0, %c0_i32 : i32, i32
  }
}

</mosaic_0001>

<sc_bundles>
// kernel: kernel.5.cloned.1.call-start
scs
__scs_entry_jumppad:
0x0: {  	(pc) =	sbr.rel $0x88, $3  }
0x1: {  	(tag) =	ssettag $0x0;
	lr =	simm.s32 $0x1  }
0x2: {  	[smem:$0x3F9E] =	sst lr;
	_ =	strace $0xD0000000  }
0x3: {  	_ = 	snop  }
0x4: {  	_ = 	snop  }
0x5: {  	_ = 	snop  }
0x6: {  	_ = 	snop  }
0x7: {  	_ = 	snop  }
__scs_overlays_trampoline_lowered:
0x8: {  	[smem:$0x3FAD] =	sst s0  }
0x9: {  	[smem:$0x3FAE] =	sst s1  }
0xa: {  	[smem:$0x3FAF] =	sst s2  }
0xb: {  	[smem:$0x3FB0] =	sst s3  }
0xc: {  	[smem:$0x3FB1] =	sst s4  }
0xd: {  	[smem:$0x3FB2] =	sst s5  }
0xe: {  	[smem:$0x3FB3] =	sst s6  }
0xf: {  	[smem:$0x3FB4] =	sst s7  }
0x10: {  	[smem:$0x3FB5] =	sst s8  }
0x11: {  	[smem:$0x3FB6] =	sst s9;
	s0 =	simm.s32 @!p0 $0x0  }
0x12: {  	s1 =	sld [smem:$0x3F9C];
	s0 =	simm.s32 @p0 $0x1  }
0x13: {  	[smem:$0x3FB7] =	sst s0;
	s0 =	simm.s32 @!p1 $0x0  }
0x14: {  	s2 =	sld [smem:$0x3F9B];
	s0 =	simm.s32 @p1 $0x1  }
0x15: {  	[smem:$0x3FB8] =	sst s0;
	s0 =	simm.s32 @!p2 $0x0  }
0x16: {  	s3 =	sld [smem:$0x3FDB];
	s0 =	simm.s32 @p2 $0x1  }
0x17: {  	s4 =	simm.s32 $0x1BF5;
	[smem:$0x3FBA] =	sst s0  }
0x18: {  	s0 =	sld [smem:$0x3F9D];
	_ =	swait.ge [sflag:s4], $0x0  }
0x19: {  	s7 =	sld [smem:$0x3F9E]  }
0x1a: {  	s8 =	sadd.s32 $0xFFFFE003, lr  }
0x1b: {  	s9 =	sadd.s32 $0xFFFFFEF7, lr;
	s5 =	simm.s32 $0xFFFFFFFF;
	p2 =	slt.u32 s8, $0xFFFFF086  }
0x1c: {  	p1 =	slt.u32 s9, $0xF7A;
	s5 =	simm.s32 @!p2 $0x0  }
0x1d: {  	s5 =	simm.s32 @p1 $0x1;
	p0 =	seq.s32 s7, s2  }
0x1e: {  	s7 =	smul.u32 @!p0 $0xF7A, s2;
	p2 =	seq.s32 @!p0 s5, $0x0  }
0x1f: {  	s9 =	smul.u32 $0xF7A, s1;
	s8 =	simm.s32 @!p0 $0x1BF5;
	p2 =	por !p2, p0  }
0x20: {  	[sflag:s8] =	ssyncset.s32 @!p0 $0xFFFFF086;
	s6 =	sadd.s32 @!p0 s3, s7;
	s7 =	simm.s32 @!p0 $0x108  }
0x21: {  	s3 =	sadd.s32 s3, s9;
	s6 =	sadd.s32 @!p0 $0x88, s6;
	s7 =	simm.s32 @p2 $0x1082  }
0x22: {  	[simem:s7], [sflag:s8] =	dma.local @!p0 [hbm:s6], $0xF7A  }
0x23: {  	s9 =	sor.u32 $0xD0000000, s2;
	s6 =	simm.s32 $0x108;
	_ =	swait.ge @!p0 [sflag:s8], $0x0  }
0x24: {  	s3 =	sadd.s32 $0x88, s3;
	s6 =	simm.s32 @!p1 $0x1082;
	[sflag:s4] =	ssyncset.s32 $0xFFFFF086  }
0x25: {  	[simem:s6], [sflag:s4] =	dma.local [hbm:s3], $0xF7A  }
0x26: {  	[smem:$0x3F9E] =	sst s1;
	(tag) =	ssettag s2;
	_ =	strace s9  }
0x27: {  	s1 =	sld [smem:$0x3FAE]  }
0x28: {  	s2 =	sld [smem:$0x3FAF]  }
0x29: {  	s4 =	sld [smem:$0x3FB1]  }
0x2a: {  	p0 =	seq.s32 s5, $0x0;
	s5 =	sld [smem:$0x3FB2]  }
0x2b: {  	s6 =	sld [smem:$0x3FB3]  }
0x2c: {  	s7 =	sld [smem:$0x3FB4]  }
0x2d: {  	s3 =	simm.s32 $0x108;
	s8 =	sld [smem:$0x3FB5]  }
0x2e: {  	s3 =	simm.s32 @!p0 $0x1082;
	s9 =	sld [smem:$0x3FB6]  }
0x2f: {  	lr =	sadd.s32 s0, s3;
	s0 =	sld [smem:$0x3FAD]  }
0x30: {  	s3 =	sld [smem:$0x3FB0]  }
0x31: {  	[smem:$0x3FB9] =	sst s10  }
0x32: {  	s10 =	sld [smem:$0x3FB7];
	_ =	sdelay $0x3  }
0x33: {  	p0 =	seq.s32 s10, $0x1;
	s10 =	sld [smem:$0x3FB9];
	_ =	sdelay $0x3  }
0x34: {  	[smem:$0x3FB9] =	sst s10  }
0x35: {  	s10 =	sld [smem:$0x3FB8];
	_ =	sdelay $0x3  }
0x36: {  	p1 =	seq.s32 s10, $0x1;
	s10 =	sld [smem:$0x3FB9];
	_ =	sdelay $0x3  }
0x37: {  	[smem:$0x3FB9] =	sst s10  }
0x38: {  	s10 =	sld [smem:$0x3FBA]  }
0x39: {  	_ = 	snop;
	(pc) =	sbr.ind lr, $3  }
0x3a: {  	_ = 	snop  }
0x3b: {  	_ = 	snop  }
0x3c: {  	p2 =	seq.s32 s10, $0x1;
	s10 =	sld [smem:$0x3FB9]  }
0x3d: {  	_ =	shalt  }
0x3e: {  	_ =	shalt  }
0x3f: {  	_ =	shalt  }
0x40: {  	_ =	shalt  }
0x41: {  	_ =	shalt  }
0x42: {  	_ =	shalt  }
0x43: {  	_ =	shalt  }
0x44: {  	_ =	shalt  }
0x45: {  	_ =	shalt  }
0x46: {  	_ =	shalt  }
0x47: {  	_ =	shalt  }
0x48: {  	_ =	shalt  }
0x49: {  	_ =	shalt  }
0x4a: {  	_ =	shalt  }
0x4b: {  	_ =	shalt  }
0x4c: {  	_ =	shalt  }
0x4d: {  	_ =	shalt  }
0x4e: {  	_ =	shalt  }
0x4f: {  	_ =	shalt  }
0x50: {  	_ =	shalt  }
0x51: {  	_ =	shalt  }
0x52: {  	_ =	shalt  }
0x53: {  	_ =	shalt  }
0x54: {  	_ =	shalt  }
0x55: {  	_ =	shalt  }
0x56: {  	_ =	shalt  }
0x57: {  	_ =	shalt  }
0x58: {  	_ =	shalt  }
0x59: {  	_ =	shalt  }
0x5a: {  	_ =	shalt  }
0x5b: {  	_ =	shalt  }
0x5c: {  	_ =	shalt  }
0x5d: {  	_ =	shalt  }
0x5e: {  	_ =	shalt  }
0x5f: {  	_ =	shalt  }
0x60: {  	_ =	shalt  }
0x61: {  	_ =	shalt  }
0x62: {  	_ =	shalt  }
0x63: {  	_ =	shalt  }
0x64: {  	_ =	shalt  }
0x65: {  	_ =	shalt  }
0x66: {  	_ =	shalt  }
0x67: {  	_ =	shalt  }
0x68: {  	_ =	shalt  }
0x69: {  	_ =	shalt  }
0x6a: {  	_ =	shalt  }
0x6b: {  	_ =	shalt  }
0x6c: {  	_ =	shalt  }
0x6d: {  	_ =	shalt  }
0x6e: {  	_ =	shalt  }
0x6f: {  	_ =	shalt  }
0x70: {  	_ =	shalt  }
0x71: {  	_ =	shalt  }
0x72: {  	_ =	shalt  }
0x73: {  	_ =	shalt  }
0x74: {  	_ =	shalt  }
0x75: {  	_ =	shalt  }
0x76: {  	_ =	shalt  }
0x77: {  	_ =	shalt  }
0x78: {  	_ =	shalt  }
0x79: {  	_ =	shalt  }
0x7a: {  	_ =	shalt  }
0x7b: {  	_ =	shalt  }
0x7c: {  	_ =	shalt  }
0x7d: {  	_ =	shalt  }
0x7e: {  	_ =	shalt  }
0x7f: {  	_ =	shalt  }
0x80: {  	_ =	shalt  }
0x81: {  	_ =	shalt  }
0x82: {  	_ =	shalt  }
0x83: {  	_ =	shalt  }
0x84: {  	_ =	shalt  }
0x85: {  	_ =	shalt  }
0x86: {  	_ =	shalt  }
0x87: {  	_ =	shalt  }
.Lfunc_end0:
.L_simem_size_0:
called_computation.1_lowered:
.L_overlay_start_0:
0x88: {  	s2 =	sld [smem:$0x3FD9]  }
0x89: {  	s3 =	sld [smem:$0x3FFE];
	_ =	sdelay $0x1  }
0x8a: {  	s1 =	srdreg.scid  }
0x8b: {  	s0 =	sand.u32 $0x1, s1  }
0x8c: {  	s17 =	sshll.u32 s0, $0xA;
	s2 =	sadd.s32 s3, s2  }
0x8d: {  	s2 =	sadd.s32 s2, s17  }
0x8e: {  	[smem:$0x3FC5] =	sst s2  }
0x8f: {  	_ = 	snop  }
0x90: {  	s18 =	sld [smem:$0x3FC9];
	(tm) =	ssettm $0x1  }
0x91: {  	s19 =	sld [smem:$0x3FFB];
	_ =	sdelay $0x3  }
0x92: {  	_ =	strace s19  }
0x93: {  	s2 =	sld [smem:$0x3FFC];
	_ =	sdelay $0x3  }
0x94: {  	_ =	strace s2  }
0x95: {  	s2 =	sld [smem:$0x3FFD];
	_ =	sdelay $0x3  }
0x96: {  	_ =	strace s2  }
0x97: {  	_ =	strace $0x8FFFFFFF  }
0x98: {  	s20 =	sld [smem:$0x3FDB];
	_ =	sdelay $0x1  }
0x99: {  	s4 =	simm.s32 $_scs_section_size  }
0x9a: {  	s5 =	simm.s32 $_size__tile_overlayer_lowered;
	s6 =	simm.s32 $_tile_overlayer_lowered  }
0x9b: {  	s7 =	simm.s32 $0x1BFF;
	s21 =	sshll.u32 s6, $0x1;
	s4 =	sadd.s32 s4, s20  }
0x9c: {  	s22 =	simm.s32 $0x0;
	s5 =	sshll.u32 s5, $0x1;
	s6 =	sadd.s32 s21, s4  }
0x9d: {  	[timem:s22], [sflag:s7] =	dma.local [hbm:s6], s5  }
0x9e: {  	_ =	swait.ge [sflag:s7], s5  }
0x9f: {  	s5 =	ssub.s32 $0x0, s5;
	[sflag:s7] =	ssyncset.done $0x0  }
0xa0: {  	[sflag:s7] =	ssyncadd.s32 s5;
	_ =	sdelay $0x1  }
0xa1: {  	s23 =	simm.s32 $0x1B8B  }
0xa2: {  	_ =	swait.ge [sflag:s23], $0x1  }
0xa3: {  	[sflag:s23] =	ssyncset.done $0x0  }
0xa4: {  	[sflag:s23] =	ssyncadd.s32 $0xFFFFFFFF  }
0xa5: {  	s5 =	sld [smem:$0x0]  }
0xa6: {  	s6 =	sand.u32 $0xFFFFFFFE, s1  }
0xa7: {  	p0 =	sne.s32 s1, s6  }
0xa8: {  	s6 =	sshll.u32 @p0 s6, $0xE  }
0xa9: {  	s6 =	sadd.s32 @p0 $0x11B8D, s6;
	s7 =	sshll.u32 @p0 s5, $0x11  }
0xaa: {  	s6 =	sor.u32 @p0 s7, s6  }
0xab: {  	[sflag:s6] =	ssyncadd.remote.s32 @p0 $0x1;
	_ =	sdelay $0x1  }
0xac: {  	s6 =	simm.s32 @p0 $0x1B8D  }
0xad: {  	_ =	swait.eq @p0 [sflag:s6], $0x1  }
0xae: {  	[sflag:s6] =	ssyncadd.s32 @p0 $0xFFFFFFFF  }
0xaf: {  	s7 =	sshll.u32 @!p0 s1, $0xE  }
0xb0: {  	s7 =	sor.u32 @!p0 $0x4000, s7;
	s6 =	simm.s32 @!p0 $0x1B8D  }
0xb1: {  	s5 =	sshll.u32 @!p0 s5, $0x11;
	s7 =	sadd.s32 @!p0 $0x11B8D, s7;
	_ =	swait.eq @!p0 [sflag:s6], $0x1  }
0xb2: {  	s5 =	sor.u32 @!p0 s5, s7;
	[sflag:s6] =	ssyncadd.s32 @!p0 $0xFFFFFFFF  }
0xb3: {  	s25 =	simm.s32 $0x1B8E;
	s24 =	sld [smem:$0x3FFE];
	[sflag:s5] =	ssyncadd.remote.s32 @!p0 $0x1  }
0xb4: {  	s26 =	simm.s32 $execute0_lowered;
	[smem:$0x3FD2] =	sst s25  }
0xb5: {  	s6 =	sshll.u32 s26, $0x1;
	_ =	strace $0x80000049;
	[dreg:$0x1] =	wrdreg $0xFFFFFFFF  }
0xb6: {  	s28 =	simm.s32 $_size_execute0_lowered;
	s4 =	sadd.s32 s4, s6;
	[dreg:$0x0] =	wrdreg $0x0  }
0xb7: {  	s6 =	sshll.u32 s28, $0x1;
	[dreg:$0x2] =	wrdreg s4  }
0xb8: {  	[dreg:$0x3] =	wrdreg s6  }
0xb9: {  	[dreg:$0x4] =	wrdreg $0xC0  }
0xba: {  	_ =	task [dreg:s22], $0x5FFFF  }
0xbb: {  	[dreg:$0x1] =	wrdreg $0xFFFFFFFF  }
0xbc: {  	[dreg:$0x0] =	wrdreg $0x60  }
0xbd: {  	[dreg:$0x2] =	wrdreg s18  }
0xbe: {  	[dreg:$0x3] =	wrdreg s24  }
0xbf: {  	[dreg:$0x4] =	wrdreg $0xA  }
0xc0: {  	_ =	task.clear_ibuf [dreg:s22], $0x5FFFF;
	_ =	strace $0x90000049  }
0xc1: {  	s29 =	simm.s32 $0xA;
	_ =	strace $0x8000004B  }
0xc2: {  	_ =	swait.ge [sflag:s29], $0x1  }
0xc3: {  	[sflag:s29] =	ssyncadd.s32 $0xFFFFFFFF  }
0xc4: {  	_ =	strace $0x9000004B  }
0xc5: {  	_ =	sfence  }
0xc6: {  	s30 =	sld [smem:$0x0];
	_ =	sdelay $0x2  }
0xc7: {  	s31 =	sshll.u32 s1, $0xD;
	s1 =	sshrl.u32 s1, $0x2  }
0xc8: {  	s4 =	sand.u32 $0x4000, s31;
	s1 =	sadd.s32 s1, s30  }
0xc9: {  	s0 =	sor.u32 s4, s0;
	s1 =	sshll.u32 s1, $0x11  }
0xca: {  	s0 =	sor.u32 s1, s0  }
0xcb: {  	s0 =	sadd.s32 $0x8F2B, s0  }
0xcc: {  	[sflag:s0] =	ssyncadd.remote.s32 $0x1  }
0xcd: {  	_ =	sfence.sel $0xFFFF  }
0xce: {  	[dreg:$0x0] =	wrdreg $0xFFFFFFFF;
	(pc) =	sbr.abs _section_cstart, $3  }
0xcf: {  	[dreg:$0x1] =	wrdreg $0xFFFFFFFF  }
0xd0: {  	_ =	task.clear_ibuf [dreg:s22], $0x2FFFF;
	_ =	strace $0x9FFFFFFF  }
0xd1: {  	(tm) =	ssettm $0x7FFFFFFF  }
tec
execute0_lowered:
.L_overlay_start_1:
0x0: {  	(tag) =	ssettag $0x1  }
0x1: {  	s2 =	rddreg [dreg:$0x0]  }
0x2: {  	s16 =	rddreg [dreg:$0x1];
	s3 =	srdreg.scid  }
0x3: {  	s0 =	rddreg [dreg:$0x2];
	s1 =	stileid.u32;
	s21 =	sand.u32 $0x1, s3  }
0x4: {  	s3 =	simm.s32 $0x0;
	s4 =	sshll.u32 s1, $0x7;
	s5 =	sshll.u32 s21, $0x6  }
0x5: {  	[smem:$0x7FF] =	sst s3;
	s4 =	sor.u32 s5, s4  }
0x6: {  	_ =	strace $0x8000004A;
	s5 =	simm.s32 $0x3;
	s4 =	sadd.s32 s16, s4  }
0x7: {  	[tilespmem:s3], [sflag:$0x3] =	stream.linear.gather [hbm4b:s4+s3], $0x200, $0x38;
	[tilespmem:$0x10400] =	vst v63  }
0x8: {  	_ =	swait.ge [sflag:s5], $0x200  }
0x9: {  	[sflag:s5] =	ssyncset.done $0x0  }
0xa: {  	s7 =	simm.s32 $0x200;
	s6 =	sadd.s32 $0x1000, s4;
	[sflag:s5] =	ssyncadd.s32 $0xFFFFFE00  }
0xb: {  	[tilespmem:s7], [sflag:$0x3] =	stream.linear.gather [hbm4b:s6+s3], $0x200, $0x38;
	[tilespmem:$0x10400] =	vst v63  }
0xc: {  	_ =	swait.ge [sflag:s5], $0x200  }
0xd: {  	[sflag:s5] =	ssyncset.done $0x0  }
0xe: {  	s8 =	simm.s32 $0x80;
	s9 =	simm.s32 $0x400;
	[sflag:s5] =	ssyncadd.s32 $0xFFFFFE00  }
0xf: {  	[tilespmem:s9], [sflag:$0x1] =	stream.indirect.gather [hbm4b:s2+s8], $0x80, s3, s8, $0xb8;
	[tilespmem:$0x10400] =	vst v63  }
0x10: {  	s10 =	simm.s32 $0x4400  }
0x11: {  	[tilespmem:s10], [sflag:$0x1] =	stream.indirect.gather [hbm4b:s2+s8], $0x80, s8, s8, $0xb8;
	[tilespmem:$0x10400] =	vst v63  }
0x12: {  	s11 =	simm.s32 $0x100;
	s12 =	simm.s32 $0x8400  }
0x13: {  	[tilespmem:s12], [sflag:$0x1] =	stream.indirect.gather [hbm4b:s2+s8], $0x80, s11, s8, $0xb8;
	[tilespmem:$0x10400] =	vst v63  }
0x14: {  	s13 =	simm.s32 $0x180;
	s14 =	simm.s32 $0xC400;
	s15 =	simm.s32 $0x1  }
0x15: {  	[tilespmem:s14], [sflag:$0x1] =	stream.indirect.gather [hbm4b:s2+s8], $0x80, s13, s8, $0xb8;
	[tilespmem:$0x10400] =	vst v63  }
0x16: {  	_ =	swait.ge [sflag:s15], $0x4000  }
0x17: {  	[sflag:s15] =	ssyncset.done $0x0  }
0x18: {  	[sflag:s15] =	ssyncadd.s32 $0xFFFFC000  }
0x19: {  	_ =	swait.ge [sflag:s15], $0x4000  }
0x1a: {  	[sflag:s15] =	ssyncset.done $0x0  }
0x1b: {  	[sflag:s15] =	ssyncadd.s32 $0xFFFFC000  }
0x1c: {  	_ =	swait.ge [sflag:s15], $0x4000  }
0x1d: {  	[sflag:s15] =	ssyncset.done $0x0  }
0x1e: {  	[sflag:s15] =	ssyncadd.s32 $0xFFFFC000  }
0x1f: {  	_ =	swait.ge [sflag:s15], $0x4000  }
0x20: {  	[sflag:s15] =	ssyncset.done $0x0  }
0x21: {  	s16 =	sadd.s32 $0x1A00, s16;
	[sflag:s15] =	ssyncadd.s32 $0xFFFFC000  }
0x22: {  	[hbm4b:s16+s8] =	stream.indirect.scatter [tilespmem:s9], [sflag:$0x2], $0x80, s7, s8, $0xb8;
	[tilespmem:$0x10400] =	vst v63  }
0x23: {  	s17 =	simm.s32 $0x280  }
0x24: {  	[hbm4b:s16+s8] =	stream.indirect.scatter [tilespmem:s10], [sflag:$0x2], $0x80, s17, s8, $0xb8;
	[tilespmem:$0x10400] =	vst v63  }
0x25: {  	s18 =	simm.s32 $0x300  }
0x26: {  	[hbm4b:s16+s8] =	stream.indirect.scatter [tilespmem:s12], [sflag:$0x2], $0x80, s18, s8, $0xb8;
	[tilespmem:$0x10400] =	vst v63  }
0x27: {  	s20 =	simm.s32 $0x380;
	s19 =	simm.s32 $0x2  }
0x28: {  	[hbm4b:s16+s8] =	stream.indirect.scatter [tilespmem:s14], [sflag:$0x2], $0x80, s20, s8, $0xb8;
	[tilespmem:$0x10400] =	vst v63  }
0x29: {  	_ =	swait.ge [sflag:s19], $0x4000  }
0x2a: {  	s21 =	ssub.s32 $0x2, s21;
	[sflag:s19] =	ssyncset.done $0x0  }
0x2b: {  	s22 =	sshrl.u32 s21, $0x1;
	[sflag:s19] =	ssyncadd.s32 $0xFFFFC000  }
0x2c: {  	s21 =	ssub.s32 s21, s22;
	_ =	swait.ge [sflag:s19], $0x4000  }
0x2d: {  	s21 =	smax.u32 s21, $0x1;
	[sflag:s19] =	ssyncset.done $0x0  }
0x2e: {  	p0 =	sne.s32 s21, $0x1;
	[sflag:s19] =	ssyncadd.s32 $0xFFFFC000  }
.Ltmp0:
0x2f: {  	_ =	swait.ge [sflag:s19], $0x4000;
	(pc) =	sbr.rel @!p0 .LBB2_2-.Ltmp0, $4  }
0x30: {  	[sflag:s19] =	ssyncset.done $0x0  }
0x31: {  	[sflag:s19] =	ssyncadd.s32 $0xFFFFC000  }
0x32: {  	_ =	swait.ge [sflag:s19], $0x4000  }
0x33: {  	s21 =	sadd.s32 $0xFFFFFFFF, s21;
	[sflag:s19] =	ssyncset.done $0x0  }
.LBB2_1:
0x34: {  	p0 =	sne.s32 s21, $0x1;
	s21 =	sadd.s32 $0xFFFFFFFF, s21;
	[sflag:s19] =	ssyncadd.s32 $0xFFFFC000  }
0x35: {  	[tilespmem:s3], [sflag:$0x3] =	stream.linear.gather [hbm4b:s4+s3], $0x200, $0x38;
	[tilespmem:$0x10400] =	vst v63  }
0x36: {  	_ =	swait.ge [sflag:s5], $0x200  }
0x37: {  	[sflag:s5] =	ssyncset.done $0x0  }
0x38: {  	[sflag:s5] =	ssyncadd.s32 $0xFFFFFE00  }
0x39: {  	[tilespmem:s7], [sflag:$0x3] =	stream.linear.gather [hbm4b:s6+s3], $0x200, $0x38;
	[tilespmem:$0x10400] =	vst v63  }
0x3a: {  	_ =	swait.ge [sflag:s5], $0x200  }
0x3b: {  	[sflag:s5] =	ssyncset.done $0x0  }
0x3c: {  	[sflag:s5] =	ssyncadd.s32 $0xFFFFFE00  }
0x3d: {  	[tilespmem:s9], [sflag:$0x1] =	stream.indirect.gather [hbm4b:s2+s8], $0x80, s3, s8, $0xb8;
	[tilespmem:$0x10400] =	vst v63  }
0x3e: {  	_ = 	snop  }
0x3f: {  	[tilespmem:s10], [sflag:$0x1] =	stream.indirect.gather [hbm4b:s2+s8], $0x80, s8, s8, $0xb8;
	[tilespmem:$0x10400] =	vst v63  }
0x40: {  	_ = 	snop  }
0x41: {  	[tilespmem:s12], [sflag:$0x1] =	stream.indirect.gather [hbm4b:s2+s8], $0x80, s11, s8, $0xb8;
	[tilespmem:$0x10400] =	vst v63  }
0x42: {  	_ = 	snop  }
0x43: {  	[tilespmem:s14], [sflag:$0x1] =	stream.indirect.gather [hbm4b:s2+s8], $0x80, s13, s8, $0xb8;
	[tilespmem:$0x10400] =	vst v63  }
0x44: {  	_ =	swait.ge [sflag:s15], $0x4000  }
0x45: {  	[sflag:s15] =	ssyncset.done $0x0  }
0x46: {  	[sflag:s15] =	ssyncadd.s32 $0xFFFFC000  }
0x47: {  	_ =	swait.ge [sflag:s15], $0x4000  }
0x48: {  	[sflag:s15] =	ssyncset.done $0x0  }
0x49: {  	[sflag:s15] =	ssyncadd.s32 $0xFFFFC000  }
0x4a: {  	_ =	swait.ge [sflag:s15], $0x4000  }
0x4b: {  	[sflag:s15] =	ssyncset.done $0x0  }
0x4c: {  	[sflag:s15] =	ssyncadd.s32 $0xFFFFC000  }
0x4d: {  	_ =	swait.ge [sflag:s15], $0x4000  }
0x4e: {  	[sflag:s15] =	ssyncset.done $0x0  }
0x4f: {  	[sflag:s15] =	ssyncadd.s32 $0xFFFFC000  }
0x50: {  	[hbm4b:s16+s8] =	stream.indirect.scatter [tilespmem:s9], [sflag:$0x2], $0x80, s7, s8, $0xb8;
	[tilespmem:$0x10400] =	vst v63  }
0x51: {  	_ = 	snop  }
0x52: {  	[hbm4b:s16+s8] =	stream.indirect.scatter [tilespmem:s10], [sflag:$0x2], $0x80, s17, s8, $0xb8;
	[tilespmem:$0x10400] =	vst v63  }
0x53: {  	_ = 	snop  }
0x54: {  	[hbm4b:s16+s8] =	stream.indirect.scatter [tilespmem:s12], [sflag:$0x2], $0x80, s18, s8, $0xb8;
	[tilespmem:$0x10400] =	vst v63  }
0x55: {  	_ = 	snop  }
0x56: {  	[hbm4b:s16+s8] =	stream.indirect.scatter [tilespmem:s14], [sflag:$0x2], $0x80, s20, s8, $0xb8;
	[tilespmem:$0x10400] =	vst v63  }
0x57: {  	_ =	swait.ge [sflag:s19], $0x4000  }
0x58: {  	[sflag:s19] =	ssyncset.done $0x0  }
0x59: {  	[sflag:s19] =	ssyncadd.s32 $0xFFFFC000  }
0x5a: {  	_ =	swait.ge [sflag:s19], $0x4000  }
0x5b: {  	[sflag:s19] =	ssyncset.done $0x0  }
0x5c: {  	[sflag:s19] =	ssyncadd.s32 $0xFFFFC000  }
.Ltmp1:
0x5d: {  	_ =	swait.ge [sflag:s19], $0x4000;
	(pc) =	sbr.rel @p0 .LBB2_1-.Ltmp1, $4  }
0x5e: {  	[sflag:s19] =	ssyncset.done $0x0  }
0x5f: {  	[sflag:s19] =	ssyncadd.s32 $0xFFFFC000  }
0x60: {  	_ =	swait.ge [sflag:s19], $0x4000  }
0x61: {  	[sflag:s19] =	ssyncset.done $0x0  }
.LBB2_2:
0x62: {  	[sflag:s19] =	ssyncadd.s32 $0xFFFFC000  }
0x63: {  	_ =	sfence.sel $0x180000  }
0x64: {  	[bflag:$0x0] =	sbarrier.arrive $0xFFFF  }
0x65: {  	p0 =	sne.s32 s1, $0x0;
	_ =	strace $0x9000004A  }
0x66: {  	s0 =	sadd.s32 @!p0 $0x100000, s0;
	[bflag:$0x2] =	sbarrier.arrive $0xFFFF  }
0x67: {  	[sflag:s0] =	ssyncadd.tile.s32 @!p0 $0x1;
	_ =	shalt  }
.Lfunc_end2:
_tile_overlayer_lowered:
.L_overlay_start_2:
0x68: {  	(tag) =	ssettag $0x2  }
0x69: {  	s0 =	rddreg [dreg:$0x0];
	s2 =	stileid.u32  }
0x6a: {  	s1 =	rddreg [dreg:$0x1];
	p0 =	sne.s32 s2, $0x0  }
0x6b: {  	s3 =	rddreg [dreg:$0x2];
	[bflag:$0x3] =	sbarrier.arrive $0xFFFF;
	s2 =	simm.s32 @!p0 $0x1C03  }
0x6c: {  	[timem:s3], [sflag:s2] =	dma.local @!p0 [hbm:s0], s1  }
0x6d: {  	s0 =	simm.s32 @!p0 $0x3  }
0x6e: {  	_ =	swait.ge @!p0 [sflag:s0], s1  }
0x6f: {  	s1 =	ssub.s32 @!p0 $0x0, s1;
	[sflag:s0] =	ssyncset.done @!p0 $0x0  }
0x70: {  	[sflag:s0] =	ssyncadd.s32 @!p0 s1  }
0x71: {  	[bflag:$0x3] =	sbarrier.arrive $0xFFFF  }
0x72: {  	_ =	shalt  }

// kernel: kernel.8.cloned.1.call-start
scs
__scs_entry_jumppad:
0x0: {  	(pc) =	sbr.rel $0x88, $3  }
0x1: {  	(tag) =	ssettag $0x0;
	lr =	simm.s32 $0x1  }
0x2: {  	[smem:$0x3F9E] =	sst lr;
	_ =	strace $0xD0000000  }
0x3: {  	_ = 	snop  }
0x4: {  	_ = 	snop  }
0x5: {  	_ = 	snop  }
0x6: {  	_ = 	snop  }
0x7: {  	_ = 	snop  }
__scs_overlays_trampoline_lowered:
0x8: {  	[smem:$0x3FAD] =	sst s0  }
0x9: {  	[smem:$0x3FAE] =	sst s1  }
0xa: {  	[smem:$0x3FAF] =	sst s2  }
0xb: {  	[smem:$0x3FB0] =	sst s3  }
0xc: {  	[smem:$0x3FB1] =	sst s4  }
0xd: {  	[smem:$0x3FB2] =	sst s5  }
0xe: {  	[smem:$0x3FB3] =	sst s6  }
0xf: {  	[smem:$0x3FB4] =	sst s7  }
0x10: {  	[smem:$0x3FB5] =	sst s8  }
0x11: {  	[smem:$0x3FB6] =	sst s9;
	s0 =	simm.s32 @!p0 $0x0  }
0x12: {  	s1 =	sld [smem:$0x3F9C];
	s0 =	simm.s32 @p0 $0x1  }
0x13: {  	[smem:$0x3FB7] =	sst s0;
	s0 =	simm.s32 @!p1 $0x0  }
0x14: {  	s2 =	sld [smem:$0x3F9B];
	s0 =	simm.s32 @p1 $0x1  }
0x15: {  	[smem:$0x3FB8] =	sst s0;
	s0 =	simm.s32 @!p2 $0x0  }
0x16: {  	s3 =	sld [smem:$0x3FDB];
	s0 =	simm.s32 @p2 $0x1  }
0x17: {  	s4 =	simm.s32 $0x1BF5;
	[smem:$0x3FBA] =	sst s0  }
0x18: {  	s0 =	sld [smem:$0x3F9D];
	_ =	swait.ge [sflag:s4], $0x0  }
0x19: {  	s7 =	sld [smem:$0x3F9E]  }
0x1a: {  	s8 =	sadd.s32 $0xFFFFE003, lr  }
0x1b: {  	s9 =	sadd.s32 $0xFFFFFEF7, lr;
	s5 =	simm.s32 $0xFFFFFFFF;
	p2 =	slt.u32 s8, $0xFFFFF086  }
0x1c: {  	p1 =	slt.u32 s9, $0xF7A;
	s5 =	simm.s32 @!p2 $0x0  }
0x1d: {  	s5 =	simm.s32 @p1 $0x1;
	p0 =	seq.s32 s7, s2  }
0x1e: {  	s7 =	smul.u32 @!p0 $0xF7A, s2;
	p2 =	seq.s32 @!p0 s5, $0x0  }
0x1f: {  	s9 =	smul.u32 $0xF7A, s1;
	s8 =	simm.s32 @!p0 $0x1BF5;
	p2 =	por !p2, p0  }
0x20: {  	[sflag:s8] =	ssyncset.s32 @!p0 $0xFFFFF086;
	s6 =	sadd.s32 @!p0 s3, s7;
	s7 =	simm.s32 @!p0 $0x108  }
0x21: {  	s3 =	sadd.s32 s3, s9;
	s6 =	sadd.s32 @!p0 $0x88, s6;
	s7 =	simm.s32 @p2 $0x1082  }
0x22: {  	[simem:s7], [sflag:s8] =	dma.local @!p0 [hbm:s6], $0xF7A  }
0x23: {  	s9 =	sor.u32 $0xD0000000, s2;
	s6 =	simm.s32 $0x108;
	_ =	swait.ge @!p0 [sflag:s8], $0x0  }
0x24: {  	s3 =	sadd.s32 $0x88, s3;
	s6 =	simm.s32 @!p1 $0x1082;
	[sflag:s4] =	ssyncset.s32 $0xFFFFF086  }
0x25: {  	[simem:s6], [sflag:s4] =	dma.local [hbm:s3], $0xF7A  }
0x26: {  	[smem:$0x3F9E] =	sst s1;
	(tag) =	ssettag s2;
	_ =	strace s9  }
0x27: {  	s1 =	sld [smem:$0x3FAE]  }
0x28: {  	s2 =	sld [smem:$0x3FAF]  }
0x29: {  	s4 =	sld [smem:$0x3FB1]  }
0x2a: {  	p0 =	seq.s32 s5, $0x0;
	s5 =	sld [smem:$0x3FB2]  }
0x2b: {  	s6 =	sld [smem:$0x3FB3]  }
0x2c: {  	s7 =	sld [smem:$0x3FB4]  }
0x2d: {  	s3 =	simm.s32 $0x108;
	s8 =	sld [smem:$0x3FB5]  }
0x2e: {  	s3 =	simm.s32 @!p0 $0x1082;
	s9 =	sld [smem:$0x3FB6]  }
0x2f: {  	lr =	sadd.s32 s0, s3;
	s0 =	sld [smem:$0x3FAD]  }
0x30: {  	s3 =	sld [smem:$0x3FB0]  }
0x31: {  	[smem:$0x3FB9] =	sst s10  }
0x32: {  	s10 =	sld [smem:$0x3FB7];
	_ =	sdelay $0x3  }
0x33: {  	p0 =	seq.s32 s10, $0x1;
	s10 =	sld [smem:$0x3FB9];
	_ =	sdelay $0x3  }
0x34: {  	[smem:$0x3FB9] =	sst s10  }
0x35: {  	s10 =	sld [smem:$0x3FB8];
	_ =	sdelay $0x3  }
0x36: {  	p1 =	seq.s32 s10, $0x1;
	s10 =	sld [smem:$0x3FB9];
	_ =	sdelay $0x3  }
0x37: {  	[smem:$0x3FB9] =	sst s10  }
0x38: {  	s10 =	sld [smem:$0x3FBA]  }
0x39: {  	_ = 	snop;
	(pc) =	sbr.ind lr, $3  }
0x3a: {  	_ = 	snop  }
0x3b: {  	_ = 	snop  }
0x3c: {  	p2 =	seq.s32 s10, $0x1;
	s10 =	sld [smem:$0x3FB9]  }
0x3d: {  	_ =	shalt  }
0x3e: {  	_ =	shalt  }
0x3f: {  	_ =	shalt  }
0x40: {  	_ =	shalt  }
0x41: {  	_ =	shalt  }
0x42: {  	_ =	shalt  }
0x43: {  	_ =	shalt  }
0x44: {  	_ =	shalt  }
0x45: {  	_ =	shalt  }
0x46: {  	_ =	shalt  }
0x47: {  	_ =	shalt  }
0x48: {  	_ =	shalt  }
0x49: {  	_ =	shalt  }
0x4a: {  	_ =	shalt  }
0x4b: {  	_ =	shalt  }
0x4c: {  	_ =	shalt  }
0x4d: {  	_ =	shalt  }
0x4e: {  	_ =	shalt  }
0x4f: {  	_ =	shalt  }
0x50: {  	_ =	shalt  }
0x51: {  	_ =	shalt  }
0x52: {  	_ =	shalt  }
0x53: {  	_ =	shalt  }
0x54: {  	_ =	shalt  }
0x55: {  	_ =	shalt  }
0x56: {  	_ =	shalt  }
0x57: {  	_ =	shalt  }
0x58: {  	_ =	shalt  }
0x59: {  	_ =	shalt  }
0x5a: {  	_ =	shalt  }
0x5b: {  	_ =	shalt  }
0x5c: {  	_ =	shalt  }
0x5d: {  	_ =	shalt  }
0x5e: {  	_ =	shalt  }
0x5f: {  	_ =	shalt  }
0x60: {  	_ =	shalt  }
0x61: {  	_ =	shalt  }
0x62: {  	_ =	shalt  }
0x63: {  	_ =	shalt  }
0x64: {  	_ =	shalt  }
0x65: {  	_ =	shalt  }
0x66: {  	_ =	shalt  }
0x67: {  	_ =	shalt  }
0x68: {  	_ =	shalt  }
0x69: {  	_ =	shalt  }
0x6a: {  	_ =	shalt  }
0x6b: {  	_ =	shalt  }
0x6c: {  	_ =	shalt  }
0x6d: {  	_ =	shalt  }
0x6e: {  	_ =	shalt  }
0x6f: {  	_ =	shalt  }
0x70: {  	_ =	shalt  }
0x71: {  	_ =	shalt  }
0x72: {  	_ =	shalt  }
0x73: {  	_ =	shalt  }
0x74: {  	_ =	shalt  }
0x75: {  	_ =	shalt  }
0x76: {  	_ =	shalt  }
0x77: {  	_ =	shalt  }
0x78: {  	_ =	shalt  }
0x79: {  	_ =	shalt  }
0x7a: {  	_ =	shalt  }
0x7b: {  	_ =	shalt  }
0x7c: {  	_ =	shalt  }
0x7d: {  	_ =	shalt  }
0x7e: {  	_ =	shalt  }
0x7f: {  	_ =	shalt  }
0x80: {  	_ =	shalt  }
0x81: {  	_ =	shalt  }
0x82: {  	_ =	shalt  }
0x83: {  	_ =	shalt  }
0x84: {  	_ =	shalt  }
0x85: {  	_ =	shalt  }
0x86: {  	_ =	shalt  }
0x87: {  	_ =	shalt  }
.Lfunc_end0:
.L_simem_size_0:
called_computation.2_lowered:
.L_overlay_start_0:
0x88: {  	s2 =	sld [smem:$0x3FD9]  }
0x89: {  	s3 =	sld [smem:$0x3FFE];
	_ =	sdelay $0x1  }
0x8a: {  	s1 =	srdreg.scid  }
0x8b: {  	s0 =	sand.u32 $0x1, s1  }
0x8c: {  	s17 =	sshll.u32 s0, $0xA;
	s2 =	sadd.s32 s3, s2  }
0x8d: {  	s2 =	sadd.s32 s2, s17  }
0x8e: {  	[smem:$0x3FC5] =	sst s2  }
0x8f: {  	_ = 	snop  }
0x90: {  	s2 =	sld [smem:$0x3FD0];
	(tm) =	ssettm $0x1  }
0x91: {  	s18 =	sld [smem:$0x3FFB];
	_ =	sdelay $0x3  }
0x92: {  	_ =	strace s18  }
0x93: {  	s3 =	sld [smem:$0x3FFC];
	_ =	sdelay $0x3  }
0x94: {  	_ =	strace s3  }
0x95: {  	s3 =	sld [smem:$0x3FFD];
	_ =	sdelay $0x3  }
0x96: {  	_ =	strace s3  }
0x97: {  	_ =	strace $0x8FFFFFFF  }
0x98: {  	s19 =	sld [smem:$0x3FDB];
	_ =	sdelay $0x1  }
0x99: {  	s4 =	simm.s32 $_scs_section_size  }
0x9a: {  	s5 =	simm.s32 $_size__tile_overlayer_lowered;
	s6 =	simm.s32 $_tile_overlayer_lowered  }
0x9b: {  	s22 =	simm.s32 $0x1BFF;
	s21 =	sshll.u32 s6, $0x1;
	s3 =	sadd.s32 s4, s19  }
0x9c: {  	s7 =	simm.s32 $0x0;
	s20 =	sshll.u32 s5, $0x1;
	s5 =	sadd.s32 s21, s3  }
0x9d: {  	[timem:s7], [sflag:s22] =	dma.local [hbm:s5], s20  }
0x9e: {  	_ =	swait.ge [sflag:s22], s20  }
0x9f: {  	s4 =	ssub.s32 $0x0, s20;
	[sflag:s22] =	ssyncset.done $0x0  }
0xa0: {  	[sflag:s22] =	ssyncadd.s32 s4;
	_ =	sdelay $0x1  }
0xa1: {  	s23 =	simm.s32 $0x1B8B  }
0xa2: {  	_ =	swait.ge [sflag:s23], $0x1  }
0xa3: {  	[sflag:s23] =	ssyncset.done $0x0  }
0xa4: {  	s25 =	simm.s32 $0x1B8E;
	s24 =	sld [smem:$0x3FFE];
	[sflag:s23] =	ssyncadd.s32 $0xFFFFFFFF  }
0xa5: {  	s26 =	simm.s32 $execute0_lowered;
	[smem:$0x3FD2] =	sst s25  }
0xa6: {  	s5 =	sshll.u32 s26, $0x1;
	_ =	strace $0x8000004C;
	[dreg:$0x1] =	wrdreg $0xFFFFFFFF  }
0xa7: {  	s28 =	simm.s32 $_size_execute0_lowered;
	s3 =	sadd.s32 s3, s5;
	[dreg:$0x0] =	wrdreg $0x0  }
0xa8: {  	s5 =	sshll.u32 s28, $0x1;
	[dreg:$0x2] =	wrdreg s3  }
0xa9: {  	[dreg:$0x3] =	wrdreg s5  }
0xaa: {  	[dreg:$0x4] =	wrdreg $0xC0  }
0xab: {  	_ =	task [dreg:s7], $0x5FFFF  }
0xac: {  	[dreg:$0x1] =	wrdreg $0xFFFFFFFF  }
0xad: {  	[dreg:$0x0] =	wrdreg $0x60  }
0xae: {  	[dreg:$0x2] =	wrdreg s24  }
0xaf: {  	[dreg:$0x3] =	wrdreg s2  }
0xb0: {  	[dreg:$0x4] =	wrdreg $0x9  }
0xb1: {  	_ =	task.clear_ibuf [dreg:s7], $0x5FFFF;
	_ =	strace $0x9000004C  }
0xb2: {  	s29 =	simm.s32 $0x9;
	_ =	strace $0x8000004E  }
0xb3: {  	_ =	swait.ge [sflag:s29], $0x1  }
0xb4: {  	[sflag:s29] =	ssyncadd.s32 $0xFFFFFFFF  }
0xb5: {  	_ =	strace $0x9000004E  }
0xb6: {  	_ =	sfence  }
0xb7: {  	s30 =	sld [smem:$0x0];
	_ =	sdelay $0x2  }
0xb8: {  	s31 =	sshll.u32 s1, $0xD;
	s1 =	sshrl.u32 s1, $0x2  }
0xb9: {  	s3 =	sand.u32 $0x4000, s31;
	s1 =	sadd.s32 s1, s30  }
0xba: {  	s0 =	sor.u32 s3, s0;
	s1 =	sshll.u32 s1, $0x11  }
0xbb: {  	s0 =	sor.u32 s1, s0  }
0xbc: {  	s0 =	sadd.s32 $0x8F2B, s0  }
0xbd: {  	[sflag:s0] =	ssyncadd.remote.s32 $0x1  }
0xbe: {  	_ =	sfence.sel $0xFFFF  }
0xbf: {  	[dreg:$0x0] =	wrdreg $0xFFFFFFFF;
	(pc) =	sbr.abs _section_cstart, $3  }
0xc0: {  	[dreg:$0x1] =	wrdreg $0xFFFFFFFF  }
0xc1: {  	_ =	task.clear_ibuf [dreg:s7], $0x2FFFF;
	_ =	strace $0x9FFFFFFF  }
0xc2: {  	(tm) =	ssettm $0x7FFFFFFF  }
0xc3: {  	_ =	shalt  }
tec
execute0_lowered:
.L_overlay_start_1:
0x0: {  	(tag) =	ssettag $0x1  }
0x1: {  	s1 =	srdreg.scid  }
0x2: {  	s0 =	stileid.u32;
	s21 =	sand.u32 $0x1, s1  }
0x3: {  	s8 =	rddreg [dreg:$0x0];
	s4 =	sshll.u32 s0, $0x7;
	s5 =	sshll.u32 s21, $0x6  }
0x4: {  	s2 =	rddreg [dreg:$0x1];
	s3 =	simm.s32 $0x0;
	s4 =	sor.u32 s5, s4  }
0x5: {  	s6 =	simm.s32 $0x3;
	[smem:$0x7FF] =	sst s3;
	s4 =	sadd.s32 s8, s4  }
0x6: {  	s1 =	rddreg [dreg:$0x2];
	_ =	strace $0x8000004D;
	s5 =	sadd.s32 $0x1000, s4  }
0x7: {  	[tilespmem:s3], [sflag:$0x3] =	stream.linear.gather [hbm4b:s5+s3], $0x200, $0x38;
	[tilespmem:$0x10400] =	vst v63  }
0x8: {  	_ =	swait.ge [sflag:s6], $0x200  }
0x9: {  	[sflag:s6] =	ssyncset.done $0x0  }
0xa: {  	s7 =	simm.s32 $0x200;
	[sflag:s6] =	ssyncadd.s32 $0xFFFFFE00  }
0xb: {  	[tilespmem:s7], [sflag:$0x3] =	stream.linear.gather [hbm4b:s4+s3], $0x200, $0x38;
	[tilespmem:$0x10400] =	vst v63  }
0xc: {  	_ =	swait.ge [sflag:s6], $0x200  }
0xd: {  	s9 =	simm.s32 $0x80;
	[sflag:s6] =	ssyncset.done $0x0  }
0xe: {  	s10 =	simm.s32 $0x400;
	s8 =	sadd.s32 $0xC1A00, s8;
	[sflag:s6] =	ssyncadd.s32 $0xFFFFFE00  }
0xf: {  	[tilespmem:s10], [sflag:$0x1] =	stream.indirect.gather [hbm4b:s8+s9], $0x80, s3, s9, $0xb8;
	[tilespmem:$0x10400] =	vst v63  }
0x10: {  	s11 =	simm.s32 $0x4400  }
0x11: {  	[tilespmem:s11], [sflag:$0x1] =	stream.indirect.gather [hbm4b:s8+s9], $0x80, s9, s9, $0xb8;
	[tilespmem:$0x10400] =	vst v63  }
0x12: {  	s12 =	simm.s32 $0x100;
	s13 =	simm.s32 $0x8400  }
0x13: {  	[tilespmem:s13], [sflag:$0x1] =	stream.indirect.gather [hbm4b:s8+s9], $0x80, s12, s9, $0xb8;
	[tilespmem:$0x10400] =	vst v63  }
0x14: {  	s14 =	simm.s32 $0x180;
	s15 =	simm.s32 $0xC400;
	s16 =	simm.s32 $0x1  }
0x15: {  	[tilespmem:s15], [sflag:$0x1] =	stream.indirect.gather [hbm4b:s8+s9], $0x80, s14, s9, $0xb8;
	[tilespmem:$0x10400] =	vst v63  }
0x16: {  	_ =	swait.ge [sflag:s16], $0x4000  }
0x17: {  	[sflag:s16] =	ssyncset.done $0x0  }
0x18: {  	[sflag:s16] =	ssyncadd.s32 $0xFFFFC000  }
0x19: {  	_ =	swait.ge [sflag:s16], $0x4000  }
0x1a: {  	[sflag:s16] =	ssyncset.done $0x0  }
0x1b: {  	[sflag:s16] =	ssyncadd.s32 $0xFFFFC000  }
0x1c: {  	_ =	swait.ge [sflag:s16], $0x4000  }
0x1d: {  	[sflag:s16] =	ssyncset.done $0x0  }
0x1e: {  	[sflag:s16] =	ssyncadd.s32 $0xFFFFC000  }
0x1f: {  	_ =	swait.ge [sflag:s16], $0x4000  }
0x20: {  	[sflag:s16] =	ssyncset.done $0x0  }
0x21: {  	[sflag:s16] =	ssyncadd.s32 $0xFFFFC000  }
0x22: {  	[hbm4b:s2+s9] =	stream.indirect.scatter [tilespmem:s10], [sflag:$0x2], $0x80, s7, s9, $0xb8;
	[tilespmem:$0x10400] =	vst v63  }
0x23: {  	s17 =	simm.s32 $0x280  }
0x24: {  	[hbm4b:s2+s9] =	stream.indirect.scatter [tilespmem:s11], [sflag:$0x2], $0x80, s17, s9, $0xb8;
	[tilespmem:$0x10400] =	vst v63  }
0x25: {  	s18 =	simm.s32 $0x300  }
0x26: {  	[hbm4b:s2+s9] =	stream.indirect.scatter [tilespmem:s13], [sflag:$0x2], $0x80, s18, s9, $0xb8;
	[tilespmem:$0x10400] =	vst v63  }
0x27: {  	s20 =	simm.s32 $0x380;
	s19 =	simm.s32 $0x2  }
0x28: {  	[hbm4b:s2+s9] =	stream.indirect.scatter [tilespmem:s15], [sflag:$0x2], $0x80, s20, s9, $0xb8;
	[tilespmem:$0x10400] =	vst v63  }
0x29: {  	_ =	swait.ge [sflag:s19], $0x4000  }
0x2a: {  	s21 =	ssub.s32 $0x2, s21;
	[sflag:s19] =	ssyncset.done $0x0  }
0x2b: {  	s22 =	sshrl.u32 s21, $0x1;
	[sflag:s19] =	ssyncadd.s32 $0xFFFFC000  }
0x2c: {  	s21 =	ssub.s32 s21, s22;
	_ =	swait.ge [sflag:s19], $0x4000  }
0x2d: {  	s21 =	smax.u32 s21, $0x1;
	[sflag:s19] =	ssyncset.done $0x0  }
0x2e: {  	p0 =	sne.s32 s21, $0x1;
	[sflag:s19] =	ssyncadd.s32 $0xFFFFC000  }
.Ltmp0:
0x2f: {  	_ =	swait.ge [sflag:s19], $0x4000;
	(pc) =	sbr.rel @!p0 .LBB2_2-.Ltmp0, $4  }
0x30: {  	[sflag:s19] =	ssyncset.done $0x0  }
0x31: {  	[sflag:s19] =	ssyncadd.s32 $0xFFFFC000  }
0x32: {  	_ =	swait.ge [sflag:s19], $0x4000  }
0x33: {  	s21 =	sadd.s32 $0xFFFFFFFF, s21;
	[sflag:s19] =	ssyncset.done $0x0  }
.LBB2_1:
0x34: {  	p0 =	sne.s32 s21, $0x1;
	s21 =	sadd.s32 $0xFFFFFFFF, s21;
	[sflag:s19] =	ssyncadd.s32 $0xFFFFC000  }
0x35: {  	[tilespmem:s3], [sflag:$0x3] =	stream.linear.gather [hbm4b:s5+s3], $0x200, $0x38;
	[tilespmem:$0x10400] =	vst v63  }
0x36: {  	_ =	swait.ge [sflag:s6], $0x200  }
0x37: {  	[sflag:s6] =	ssyncset.done $0x0  }
0x38: {  	[sflag:s6] =	ssyncadd.s32 $0xFFFFFE00  }
0x39: {  	[tilespmem:s7], [sflag:$0x3] =	stream.linear.gather [hbm4b:s4+s3], $0x200, $0x38;
	[tilespmem:$0x10400] =	vst v63  }
0x3a: {  	_ =	swait.ge [sflag:s6], $0x200  }
0x3b: {  	[sflag:s6] =	ssyncset.done $0x0  }
0x3c: {  	[sflag:s6] =	ssyncadd.s32 $0xFFFFFE00  }
0x3d: {  	[tilespmem:s10], [sflag:$0x1] =	stream.indirect.gather [hbm4b:s8+s9], $0x80, s3, s9, $0xb8;
	[tilespmem:$0x10400] =	vst v63  }
0x3e: {  	_ = 	snop  }
0x3f: {  	[tilespmem:s11], [sflag:$0x1] =	stream.indirect.gather [hbm4b:s8+s9], $0x80, s9, s9, $0xb8;
	[tilespmem:$0x10400] =	vst v63  }
0x40: {  	_ = 	snop  }
0x41: {  	[tilespmem:s13], [sflag:$0x1] =	stream.indirect.gather [hbm4b:s8+s9], $0x80, s12, s9, $0xb8;
	[tilespmem:$0x10400] =	vst v63  }
0x42: {  	_ = 	snop  }
0x43: {  	[tilespmem:s15], [sflag:$0x1] =	stream.indirect.gather [hbm4b:s8+s9], $0x80, s14, s9, $0xb8;
	[tilespmem:$0x10400] =	vst v63  }
0x44: {  	_ =	swait.ge [sflag:s16], $0x4000  }
0x45: {  	[sflag:s16] =	ssyncset.done $0x0  }
0x46: {  	[sflag:s16] =	ssyncadd.s32 $0xFFFFC000  }
0x47: {  	_ =	swait.ge [sflag:s16], $0x4000  }
0x48: {  	[sflag:s16] =	ssyncset.done $0x0  }
0x49: {  	[sflag:s16] =	ssyncadd.s32 $0xFFFFC000  }
0x4a: {  	_ =	swait.ge [sflag:s16], $0x4000  }
0x4b: {  	[sflag:s16] =	ssyncset.done $0x0  }
0x4c: {  	[sflag:s16] =	ssyncadd.s32 $0xFFFFC000  }
0x4d: {  	_ =	swait.ge [sflag:s16], $0x4000  }
0x4e: {  	[sflag:s16] =	ssyncset.done $0x0  }
0x4f: {  	[sflag:s16] =	ssyncadd.s32 $0xFFFFC000  }
0x50: {  	[hbm4b:s2+s9] =	stream.indirect.scatter [tilespmem:s10], [sflag:$0x2], $0x80, s7, s9, $0xb8;
	[tilespmem:$0x10400] =	vst v63  }
0x51: {  	_ = 	snop  }
0x52: {  	[hbm4b:s2+s9] =	stream.indirect.scatter [tilespmem:s11], [sflag:$0x2], $0x80, s17, s9, $0xb8;
	[tilespmem:$0x10400] =	vst v63  }
0x53: {  	_ = 	snop  }
0x54: {  	[hbm4b:s2+s9] =	stream.indirect.scatter [tilespmem:s13], [sflag:$0x2], $0x80, s18, s9, $0xb8;
	[tilespmem:$0x10400] =	vst v63  }
0x55: {  	_ = 	snop  }
0x56: {  	[hbm4b:s2+s9] =	stream.indirect.scatter [tilespmem:s15], [sflag:$0x2], $0x80, s20, s9, $0xb8;
	[tilespmem:$0x10400] =	vst v63  }
0x57: {  	_ =	swait.ge [sflag:s19], $0x4000  }
0x58: {  	[sflag:s19] =	ssyncset.done $0x0  }
0x59: {  	[sflag:s19] =	ssyncadd.s32 $0xFFFFC000  }
0x5a: {  	_ =	swait.ge [sflag:s19], $0x4000  }
0x5b: {  	[sflag:s19] =	ssyncset.done $0x0  }
0x5c: {  	[sflag:s19] =	ssyncadd.s32 $0xFFFFC000  }
.Ltmp1:
0x5d: {  	_ =	swait.ge [sflag:s19], $0x4000;
	(pc) =	sbr.rel @p0 .LBB2_1-.Ltmp1, $4  }
0x5e: {  	[sflag:s19] =	ssyncset.done $0x0  }
0x5f: {  	[sflag:s19] =	ssyncadd.s32 $0xFFFFC000  }
0x60: {  	_ =	swait.ge [sflag:s19], $0x4000  }
0x61: {  	[sflag:s19] =	ssyncset.done $0x0  }
.LBB2_2:
0x62: {  	[sflag:s19] =	ssyncadd.s32 $0xFFFFC000  }
0x63: {  	_ =	sfence.sel $0x180000  }
0x64: {  	[bflag:$0x0] =	sbarrier.arrive $0xFFFF  }
0x65: {  	p0 =	sne.s32 s0, $0x0;
	_ =	strace $0x9000004D  }
0x66: {  	s0 =	sadd.s32 @!p0 $0x100000, s1;
	[bflag:$0x2] =	sbarrier.arrive $0xFFFF  }
0x67: {  	[sflag:s0] =	ssyncadd.tile.s32 @!p0 $0x1;
	_ =	shalt  }
.Lfunc_end2:
_tile_overlayer_lowered:
.L_overlay_start_2:
0x68: {  	(tag) =	ssettag $0x2  }
0x69: {  	s0 =	rddreg [dreg:$0x0];
	s2 =	stileid.u32  }
0x6a: {  	s1 =	rddreg [dreg:$0x1];
	p0 =	sne.s32 s2, $0x0  }
0x6b: {  	s3 =	rddreg [dreg:$0x2];
	[bflag:$0x3] =	sbarrier.arrive $0xFFFF;
	s2 =	simm.s32 @!p0 $0x1C03  }
0x6c: {  	[timem:s3], [sflag:s2] =	dma.local @!p0 [hbm:s0], s1  }
0x6d: {  	s0 =	simm.s32 @!p0 $0x3  }
0x6e: {  	_ =	swait.ge @!p0 [sflag:s0], s1  }
0x6f: {  	s1 =	ssub.s32 @!p0 $0x0, s1;
	[sflag:s0] =	ssyncset.done @!p0 $0x0  }
0x70: {  	[sflag:s0] =	ssyncadd.s32 @!p0 s1  }
0x71: {  	[bflag:$0x3] =	sbarrier.arrive $0xFFFF  }
0x72: {  	_ =	shalt  }

// kernel: scatter_offload_async_start
scs
__scs_entry_jumppad:
0x0: {  	(pc) =	sbr.rel $0x88, $3  }
0x1: {  	(tag) =	ssettag $0x0;
	lr =	simm.s32 $0x1  }
0x2: {  	[smem:$0x3F9E] =	sst lr;
	_ =	strace $0xD0000000  }
0x3: {  	_ = 	snop  }
0x4: {  	_ = 	snop  }
0x5: {  	_ = 	snop  }
0x6: {  	_ = 	snop  }
0x7: {  	_ = 	snop  }
__scs_overlays_trampoline_lowered:
0x8: {  	[smem:$0x3FAD] =	sst s0  }
0x9: {  	[smem:$0x3FAE] =	sst s1  }
0xa: {  	[smem:$0x3FAF] =	sst s2  }
0xb: {  	[smem:$0x3FB0] =	sst s3  }
0xc: {  	[smem:$0x3FB1] =	sst s4  }
0xd: {  	[smem:$0x3FB2] =	sst s5  }
0xe: {  	[smem:$0x3FB3] =	sst s6  }
0xf: {  	[smem:$0x3FB4] =	sst s7  }
0x10: {  	[smem:$0x3FB5] =	sst s8  }
0x11: {  	[smem:$0x3FB6] =	sst s9;
	s0 =	simm.s32 @!p0 $0x0  }
0x12: {  	s1 =	sld [smem:$0x3F9C];
	s0 =	simm.s32 @p0 $0x1  }
0x13: {  	[smem:$0x3FB7] =	sst s0;
	s0 =	simm.s32 @!p1 $0x0  }
0x14: {  	s2 =	sld [smem:$0x3F9B];
	s0 =	simm.s32 @p1 $0x1  }
0x15: {  	[smem:$0x3FB8] =	sst s0;
	s0 =	simm.s32 @!p2 $0x0  }
0x16: {  	s3 =	sld [smem:$0x3FDB];
	s0 =	simm.s32 @p2 $0x1  }
0x17: {  	s4 =	simm.s32 $0x1BF5;
	[smem:$0x3FBA] =	sst s0  }
0x18: {  	s0 =	sld [smem:$0x3F9D];
	_ =	swait.ge [sflag:s4], $0x0  }
0x19: {  	s7 =	sld [smem:$0x3F9E]  }
0x1a: {  	s8 =	sadd.s32 $0xFFFFE003, lr  }
0x1b: {  	s9 =	sadd.s32 $0xFFFFFEF7, lr;
	s5 =	simm.s32 $0xFFFFFFFF;
	p2 =	slt.u32 s8, $0xFFFFF086  }
0x1c: {  	p1 =	slt.u32 s9, $0xF7A;
	s5 =	simm.s32 @!p2 $0x0  }
0x1d: {  	s5 =	simm.s32 @p1 $0x1;
	p0 =	seq.s32 s7, s2  }
0x1e: {  	s7 =	smul.u32 @!p0 $0xF7A, s2;
	p2 =	seq.s32 @!p0 s5, $0x0  }
0x1f: {  	s9 =	smul.u32 $0xF7A, s1;
	s8 =	simm.s32 @!p0 $0x1BF5;
	p2 =	por !p2, p0  }
0x20: {  	[sflag:s8] =	ssyncset.s32 @!p0 $0xFFFFF086;
	s6 =	sadd.s32 @!p0 s3, s7;
	s7 =	simm.s32 @!p0 $0x108  }
0x21: {  	s3 =	sadd.s32 s3, s9;
	s6 =	sadd.s32 @!p0 $0x88, s6;
	s7 =	simm.s32 @p2 $0x1082  }
0x22: {  	[simem:s7], [sflag:s8] =	dma.local @!p0 [hbm:s6], $0xF7A  }
0x23: {  	s9 =	sor.u32 $0xD0000000, s2;
	s6 =	simm.s32 $0x108;
	_ =	swait.ge @!p0 [sflag:s8], $0x0  }
0x24: {  	s3 =	sadd.s32 $0x88, s3;
	s6 =	simm.s32 @!p1 $0x1082;
	[sflag:s4] =	ssyncset.s32 $0xFFFFF086  }
0x25: {  	[simem:s6], [sflag:s4] =	dma.local [hbm:s3], $0xF7A  }
0x26: {  	[smem:$0x3F9E] =	sst s1;
	(tag) =	ssettag s2;
	_ =	strace s9  }
0x27: {  	s1 =	sld [smem:$0x3FAE]  }
0x28: {  	s2 =	sld [smem:$0x3FAF]  }
0x29: {  	s4 =	sld [smem:$0x3FB1]  }
0x2a: {  	p0 =	seq.s32 s5, $0x0;
	s5 =	sld [smem:$0x3FB2]  }
0x2b: {  	s6 =	sld [smem:$0x3FB3]  }
0x2c: {  	s7 =	sld [smem:$0x3FB4]  }
0x2d: {  	s3 =	simm.s32 $0x108;
	s8 =	sld [smem:$0x3FB5]  }
0x2e: {  	s3 =	simm.s32 @!p0 $0x1082;
	s9 =	sld [smem:$0x3FB6]  }
0x2f: {  	lr =	sadd.s32 s0, s3;
	s0 =	sld [smem:$0x3FAD]  }
0x30: {  	s3 =	sld [smem:$0x3FB0]  }
0x31: {  	[smem:$0x3FB9] =	sst s10  }
0x32: {  	s10 =	sld [smem:$0x3FB7];
	_ =	sdelay $0x3  }
0x33: {  	p0 =	seq.s32 s10, $0x1;
	s10 =	sld [smem:$0x3FB9];
	_ =	sdelay $0x3  }
0x34: {  	[smem:$0x3FB9] =	sst s10  }
0x35: {  	s10 =	sld [smem:$0x3FB8];
	_ =	sdelay $0x3  }
0x36: {  	p1 =	seq.s32 s10, $0x1;
	s10 =	sld [smem:$0x3FB9];
	_ =	sdelay $0x3  }
0x37: {  	[smem:$0x3FB9] =	sst s10  }
0x38: {  	s10 =	sld [smem:$0x3FBA]  }
0x39: {  	_ = 	snop;
	(pc) =	sbr.ind lr, $3  }
0x3a: {  	_ = 	snop  }
0x3b: {  	_ = 	snop  }
0x3c: {  	p2 =	seq.s32 s10, $0x1;
	s10 =	sld [smem:$0x3FB9]  }
0x3d: {  	_ =	shalt  }
0x3e: {  	_ =	shalt  }
0x3f: {  	_ =	shalt  }
0x40: {  	_ =	shalt  }
0x41: {  	_ =	shalt  }
0x42: {  	_ =	shalt  }
0x43: {  	_ =	shalt  }
0x44: {  	_ =	shalt  }
0x45: {  	_ =	shalt  }
0x46: {  	_ =	shalt  }
0x47: {  	_ =	shalt  }
0x48: {  	_ =	shalt  }
0x49: {  	_ =	shalt  }
0x4a: {  	_ =	shalt  }
0x4b: {  	_ =	shalt  }
0x4c: {  	_ =	shalt  }
0x4d: {  	_ =	shalt  }
0x4e: {  	_ =	shalt  }
0x4f: {  	_ =	shalt  }
0x50: {  	_ =	shalt  }
0x51: {  	_ =	shalt  }
0x52: {  	_ =	shalt  }
0x53: {  	_ =	shalt  }
0x54: {  	_ =	shalt  }
0x55: {  	_ =	shalt  }
0x56: {  	_ =	shalt  }
0x57: {  	_ =	shalt  }
0x58: {  	_ =	shalt  }
0x59: {  	_ =	shalt  }
0x5a: {  	_ =	shalt  }
0x5b: {  	_ =	shalt  }
0x5c: {  	_ =	shalt  }
0x5d: {  	_ =	shalt  }
0x5e: {  	_ =	shalt  }
0x5f: {  	_ =	shalt  }
0x60: {  	_ =	shalt  }
0x61: {  	_ =	shalt  }
0x62: {  	_ =	shalt  }
0x63: {  	_ =	shalt  }
0x64: {  	_ =	shalt  }
0x65: {  	_ =	shalt  }
0x66: {  	_ =	shalt  }
0x67: {  	_ =	shalt  }
0x68: {  	_ =	shalt  }
0x69: {  	_ =	shalt  }
0x6a: {  	_ =	shalt  }
0x6b: {  	_ =	shalt  }
0x6c: {  	_ =	shalt  }
0x6d: {  	_ =	shalt  }
0x6e: {  	_ =	shalt  }
0x6f: {  	_ =	shalt  }
0x70: {  	_ =	shalt  }
0x71: {  	_ =	shalt  }
0x72: {  	_ =	shalt  }
0x73: {  	_ =	shalt  }
0x74: {  	_ =	shalt  }
0x75: {  	_ =	shalt  }
0x76: {  	_ =	shalt  }
0x77: {  	_ =	shalt  }
0x78: {  	_ =	shalt  }
0x79: {  	_ =	shalt  }
0x7a: {  	_ =	shalt  }
0x7b: {  	_ =	shalt  }
0x7c: {  	_ =	shalt  }
0x7d: {  	_ =	shalt  }
0x7e: {  	_ =	shalt  }
0x7f: {  	_ =	shalt  }
0x80: {  	_ =	shalt  }
0x81: {  	_ =	shalt  }
0x82: {  	_ =	shalt  }
0x83: {  	_ =	shalt  }
0x84: {  	_ =	shalt  }
0x85: {  	_ =	shalt  }
0x86: {  	_ =	shalt  }
0x87: {  	_ =	shalt  }
.Lfunc_end0:
.L_simem_size_0:
called_computation_lowered:
.L_overlay_start_0:
0x88: {  	s0 =	sld [smem:$0x3FD9]  }
0x89: {  	s1 =	sld [smem:$0x3FFE];
	_ =	sdelay $0x3  }
0x8a: {  	s0 =	sadd.s32 s1, s0  }
0x8b: {  	[smem:$0x3FC5] =	sst s0  }
0x8c: {  	_ = 	snop  }
0x8d: {  	s0 =	sld [smem:$0x3FD0];
	(tm) =	ssettm $0x1  }
0x8e: {  	s16 =	sld [smem:$0x3FFB];
	_ =	sdelay $0x3  }
0x8f: {  	_ =	strace s16  }
0x90: {  	s1 =	sld [smem:$0x3FFC];
	_ =	sdelay $0x3  }
0x91: {  	_ =	strace s1  }
0x92: {  	s1 =	sld [smem:$0x3FFD];
	_ =	sdelay $0x3  }
0x93: {  	_ =	strace s1  }
0x94: {  	_ =	strace $0x8FFFFFFF  }
0x95: {  	s17 =	sld [smem:$0x3FDB];
	_ =	sdelay $0x1  }
0x96: {  	s2 =	simm.s32 $_scs_section_size  }
0x97: {  	s3 =	simm.s32 $_size__tile_overlayer_lowered;
	s4 =	simm.s32 $_tile_overlayer_lowered  }
0x98: {  	s20 =	simm.s32 $0x1BFF;
	s19 =	sshll.u32 s4, $0x1;
	s1 =	sadd.s32 s2, s17  }
0x99: {  	s5 =	simm.s32 $0x0;
	s18 =	sshll.u32 s3, $0x1;
	s3 =	sadd.s32 s19, s1  }
0x9a: {  	[timem:s5], [sflag:s20] =	dma.local [hbm:s3], s18  }
0x9b: {  	_ =	swait.ge [sflag:s20], s18  }
0x9c: {  	s2 =	ssub.s32 $0x0, s18;
	[sflag:s20] =	ssyncset.done $0x0  }
0x9d: {  	[sflag:s20] =	ssyncadd.s32 s2;
	_ =	sdelay $0x1  }
0x9e: {  	s21 =	simm.s32 $0x1B8B  }
0x9f: {  	_ =	swait.ge [sflag:s21], $0x1  }
0xa0: {  	[sflag:s21] =	ssyncset.done $0x0  }
0xa1: {  	s23 =	simm.s32 $0x1B8E;
	s22 =	sld [smem:$0x3FFE];
	[sflag:s21] =	ssyncadd.s32 $0xFFFFFFFF  }
0xa2: {  	s24 =	simm.s32 $execute0_lowered;
	[smem:$0x3FD2] =	sst s23  }
0xa3: {  	s3 =	sshll.u32 s24, $0x1;
	_ =	strace $0x80000046;
	[dreg:$0x1] =	wrdreg $0xFFFFFFFF  }
0xa4: {  	s25 =	simm.s32 $_size_execute0_lowered;
	s1 =	sadd.s32 s1, s3;
	[dreg:$0x0] =	wrdreg $0x0  }
0xa5: {  	s3 =	sshll.u32 s25, $0x1;
	[dreg:$0x2] =	wrdreg s1  }
0xa6: {  	[dreg:$0x3] =	wrdreg s3  }
0xa7: {  	[dreg:$0x4] =	wrdreg $0xC0  }
0xa8: {  	_ =	task [dreg:s5], $0x5FFFF  }
0xa9: {  	[dreg:$0x1] =	wrdreg $0xFFFFFFFF  }
0xaa: {  	[dreg:$0x0] =	wrdreg $0x60  }
0xab: {  	[dreg:$0x2] =	wrdreg s22  }
0xac: {  	[dreg:$0x3] =	wrdreg s0  }
0xad: {  	[dreg:$0x4] =	wrdreg $0x9  }
0xae: {  	_ =	task.clear_ibuf [dreg:s5], $0x5FFFF;
	_ =	strace $0x90000046  }
0xaf: {  	s26 =	simm.s32 $0x9;
	_ =	strace $0x80000048  }
0xb0: {  	_ =	swait.ge [sflag:s26], $0x1  }
0xb1: {  	[sflag:s26] =	ssyncadd.s32 $0xFFFFFFFF  }
0xb2: {  	_ =	strace $0x90000048  }
0xb3: {  	_ =	sfence  }
0xb4: {  	s28 =	sld [smem:$0x0];
	_ =	sdelay $0x1  }
0xb5: {  	s29 =	srdreg.scid  }
0xb6: {  	s30 =	sshll.u32 s29, $0xD;
	s31 =	sshrl.u32 s29, $0x2  }
0xb7: {  	s2 =	sand.u32 $0x4000, s30;
	s1 =	sand.u32 $0x1, s29;
	s0 =	sadd.s32 s31, s28  }
0xb8: {  	s1 =	sor.u32 s2, s1;
	s0 =	sshll.u32 s0, $0x11  }
0xb9: {  	s0 =	sor.u32 s0, s1  }
0xba: {  	s0 =	sadd.s32 $0x8F2B, s0  }
0xbb: {  	[sflag:s0] =	ssyncadd.remote.s32 $0x1  }
0xbc: {  	_ =	sfence.sel $0xFFFF  }
0xbd: {  	[dreg:$0x0] =	wrdreg $0xFFFFFFFF;
	(pc) =	sbr.abs _section_cstart, $3  }
0xbe: {  	[dreg:$0x1] =	wrdreg $0xFFFFFFFF  }
0xbf: {  	_ =	task.clear_ibuf [dreg:s5], $0x2FFFF;
	_ =	strace $0x9FFFFFFF  }
0xc0: {  	(tm) =	ssettm $0x7FFFFFFF  }
0xc1: {  	_ =	shalt  }
tec
execute0_lowered:
.L_overlay_start_1:
0x0: {  	(tag) =	ssettag $0x1  }
0x1: {  	s0 =	rddreg [dreg:$0x0];
	_ =	strace $0x80000047;
	s4 =	simm.s32 $0x1  }
0x2: {  	v1 =	vimm.s32 $0xFFFFFFFF;
	[sflag:s4] =	ssyncpa.u1 $0x0  }
0x3: {  	[tilespmem:$0x10] =	vst v1  }
0x4: {  	v0 =	vimm.s32 $0x80000000;
	[tilespmem:$0x20] =	vst v1  }
0x5: {  	[tilespmem:$0x30] =	vst v0  }
0x6: {  	s2 =	simm.s32 $0x2;
	s6 =	simm.s32 $0x7;
	[tilespmem:$0x40] =	vst v0  }
0x7: {  	s26 =	stileid.u32;
	s7 =	simm.s32 $0x8;
	s31 =	simm.s32 $0x9;
	[tilespmem:$0x50] =	vst v0  }
0x8: {  	s14 =	simm.s32 $0x0;
	s15 =	simm.s32 $0x100;
	s18 =	simm.s32 $0x10;
	[tilespmem:$0x60] =	vst v1  }
0x9: {  	s19 =	simm.s32 $0x2500;
	s20 =	simm.s32 $0xF;
	s21 =	simm.s32 $0x50;
	[tilespmem:$0x70] =	vst v1  }
0xa: {  	s22 =	simm.s32 $0x10FF;
	s23 =	simm.s32 $0x20;
	s24 =	simm.s32 $0x30;
	[tilespmem:$0x80] =	vst v1  }
0xb: {  	s25 =	simm.s32 $0x20FF;
	s30 =	simm.s32 $0x0;
	s29 =	simm.s32 $0x0;
	v1 =	vimm.s32 $0x0;
	[tilespmem:$0xB0] =	vst v0  }
.Ltmp0:
0xc: {  	s1 =	sadd.s32 $0x1800, s0;
	s5 =	sadd.s32 $0x800, s0;
	[tilespmem:$0x90] =	vst v1;
	(pc) =	sbr.rel .LBB2_1-.Ltmp0, $4  }
0xd: {  	s8 =	sshll.u32 s26, $0xA;
	s10 =	sshll.u32 s26, $0x1;
	[tilespmem:$0xA0] =	vst v1;
	[sflag:s2] =	ssyncpa.u1 $0x0  }
0xe: {  	s12 =	sshllo.u32 s26, $0x1;
	s26 =	simm.s32 $0x80;
	[sflag:s6] =	ssyncpa.u1 $0x0  }
0xf: {  	vm0 =	vmmov $0xffff;
	v2 =	vlaneseq.u32;
	s9 =	sadd.s32 $0x400, s8;
	s11 =	sor.u32 $0x81, s10;
	[sflag:s7] =	ssyncpa.u1 $0x0  }
0x10: {  	vm1 =	vmxor vm1, vm1;
	vm2 =	vmmov $0x1;
	vm3 =	vcmask $0x3F3C;
	s13 =	sor.u32 $0x80, s10;
	s28 =	smov.u32 s8;
	[sflag:s31] =	ssyncpa.u1 $0x0  }
.LBB2_3:
0x11: {  	s0 =	sshrl.u32 s28, $0x3;
	s2 =	rddreg [dreg:$0x1]  }
0x12: {  	s31 =	sand.u32 $0x7, s28;
	s0 =	sadd.s32 s2, s0  }
0x13: {  	[tilespmem:s15], [sflag:$0x7] =	stream.linear.gather [hbm4b:s0+s31], $0x400, $0x38;
	[tilespmem:$0x2520] =	vst v63  }
.LBB2_4:
0x14: {  	s0 =	sadd.s32 $0x400, s28  }
0x15: {  	s2 =	smov.u32 s8;
	s29 =	sadd.s32 $0x1, s29;
	p0 =	slt.s32 s0, s9  }
0x16: {  	s2 =	smov.u32 @p0 s0;
	p0 =	sne.s32 s29, $0x4  }
.Ltmp1:
0x17: {  	_ = 	snop;
	(pc) =	sbr.rel @!p0 .LBB2_13-.Ltmp1, $2  }
0x18: {  	_ =	sdelay $0x2  }
0x19: {  	s30 =	smov.u32 s28;
	s28 =	smov.u32 s2  }
.LBB2_1:
0x1a: {  	p0 =	sgt.s32 s29, $0x1  }
.Ltmp2:
0x1b: {  	_ = 	snop;
	(pc) =	sbr.rel @p0 .LBB2_11-.Ltmp2, $1  }
0x1c: {  	_ =	sdelay $0x3  }
0x1d: {  	p0 =	seq.s32 s29, $0x0  }
.Ltmp3:
0x1e: {  	_ = 	snop;
	(pc) =	sbr.rel @p0 .LBB2_3-.Ltmp3, $1  }
0x1f: {  	_ =	sdelay $0x3  }
0x20: {  	_ =	swait.ge [sflag:s6], $0x400  }
0x21: {  	[sflag:s6] =	ssyncset.done $0x0  }
0x22: {  	[sflag:s6] =	ssyncadd.s32 $0xFFFFFC00;
	(ifvalue) =	ssetifvalue $0xFFFFFFFF;
	v3 =	vld.msk [tilespmem:s15+$0x0 ss:$0x1], $0xffff;
	_ =	sdelay $0x4  }
0x23: {  	v4 =	vperm.xlane v3, v1  }
0x24: {  	vm4 =	vlt.u32 v3, $0x800  }
0x25: {  	v3 =	vnsel vm4, $0xFFFFFFFE, v3;
	vm4 =	vlt.u32 v4, $0x800  }
0x26: {  	[tilespmem:$0x70] =	vst v3;
	v3 =	vnsel vm4, $0xFFFFFFFE, v4  }
0x27: {  	s16 =	simm.s32 $0x4F0;
	[tilespmem:$0x80] =	vst v3  }
0x28: {  	v3 =	vld.msk [tilespmem:s16+$0x0 ss:$0x1], $0xffff;
	_ =	sdelay $0x4  }
0x29: {  	(xrf1) =	vunique.msk.u32 $0xffff, v3;
	_ =	sdelay $0xd  }
0x2a: {  	v4 =	vimm.s32 $0xFFFFFFFF;
	v5, _, _ =	vpop (xrf1)  }
0x2b: {  	vm5 =	vne.s32 v3, v4;
	vm4 =	veq.s32 v5, v2  }
0x2c: {  	vm6 =	vlt.u32 v3, $0x800;
	vm4 =	vmand vm5, vm4  }
0x2d: {  	vm4 =	vmand vm6, vm4  }
0x2e: {  	v4 =	vnsel vm4, $0xFFFFFFFF, v3;
	_ =	sdelay $0x3  }
0x2f: {  	s0 =	simm.s32 $0x10F0;
	(ifvalue) =	ssetifvalue $0xFFFFFFFF  }
0x30: {  	v3 =	vperm.xlane v3, v1;
	[tilespmem:s0], [sflag:$0x8] =	stream.indirect_vreg.gather [hbm4b:s1+s14], $0x1, v4, vm0, $0x4038;
	v4 =	vnsel vm6, $0xFFFFFFFE, v4;
	[tilespmem:$0x2520] =	vst v63  }
0x31: {  	s2 =	simm.s32 $0x0;
	s3 =	simm.s32 $0x4E0;
	[tilespmem:s16+$0x0] =	vst v4  }
.LBB2_6:
0x32: {  	v4 =	vld.msk [tilespmem:s3+$0x0 ss:$0x1], $0xffff;
	s2 =	sadd.s32 $0x10, s2;
	v5 =	vmov v3;
	s16 =	smov.u32 s3  }
0x33: {  	p0 =	slt.u32 s2, $0x3F0;
	_ =	sdelay $0x4  }
0x34: {  	v3 =	vperm.xlane v4, v1;
	(xrf1) =	vunique.msk.u32 $0xffff, v4;
	_ =	sdelay $0xd  }
0x35: {  	v6, _, _ =	vpop (xrf1)  }
0x36: {  	vm5 =	vne.s32 v4, v5;
	vm4 =	veq.s32 v6, v2  }
0x37: {  	vm6 =	vlt.u32 v4, $0x800;
	vm4 =	vmand vm5, vm4  }
0x38: {  	vm4 =	vmand vm6, vm4  }
0x39: {  	v4 =	vnsel vm4, $0xFFFFFFFF, v4  }
.Ltmp4:
0x3a: {  	v5 =	vnsel vm6, $0xFFFFFFFE, v4;
	(pc) =	sbr.rel @p0 .LBB2_6-.Ltmp4, $3  }
0x3b: {  	_ =	sdelay $0x1  }
0x3c: {  	s3 =	sadd.s32 $0xFFFFFFF0, s3;
	s0 =	sadd.s32 $0xFFFFFFF0, s0;
	(ifvalue) =	ssetifvalue $0xFFFFFFFF  }
0x3d: {  	[tilespmem:s0], [sflag:$0x8] =	stream.indirect_vreg.gather [hbm4b:s1+s14], $0x1, v4, vm0, $0x4038;
	[tilespmem:s16+$0x0] =	vst v5  }
.Ltmp5:
0x3e: {  	(pc) =	sbr.rel .LBB2_4-.Ltmp5, $4  }
0x3f: {  	_ = 	snop  }
0x40: {  	s0 =	sshrl.u32 s30, $0x3  }
0x41: {  	s2 =	simm.s32 $0x1500;
	s0 =	sadd.s32 s5, s0  }
0x42: {  	[tilespmem:s2], [sflag:$0x8] =	stream.linear.gather [hbm:s0], $0x400, $0x38;
	[tilespmem:$0x2520] =	vst v63  }
.LBB2_11:
0x43: {  	p0 =	seq.s32 s29, $0x2  }
.Ltmp6:
0x44: {  	_ = 	snop;
	(pc) =	sbr.rel @!p0 .LBB2_12-.Ltmp6, $1  }
0x45: {  	_ =	sdelay $0x3  }
0x46: {  	_ =	swait.ge [sflag:s7], $0x800  }
0x47: {  	[sflag:s7] =	ssyncset.done $0x0  }
0x48: {  	s0 =	simm.s32 $0x4FF;
	[sflag:s7] =	ssyncadd.s32 $0xFFFFF800  }
0x49: {  	[spmem:s11] =	stream.linear.scatter [tilespmem:s0], [sflag:$0x1], $0x1, $0x38;
	[tilespmem:$0x2520] =	vst v63  }
0x4a: {  	_ =	swait.ge [sflag:s4], $0x1  }
0x4b: {  	[sflag:s4] =	ssyncset.done $0x0  }
0x4c: {  	[sflag:s4] =	ssyncadd.s32 $0xFFFFFFFF  }
0x4d: {  	v4 =	vld [tilespmem:$0x10]  }
0x4e: {  	v5 =	vld [tilespmem:$0x70]  }
0x4f: {  	v3 =	vld [tilespmem:$0x80];
	_ =	sdelay $0x2  }
0x50: {  	(v2sf) =	vpush v4, $0x0  }
0x51: {  	(v2sf) =	vpush v5, $0x0  }
0x52: {  	(v2sf) =	vpush v3, $0x0;
	_ =	sdelay $0xc  }
0x53: {  	s17 =	spop (v2sf)  }
0x54: {  	s2 =	spop (v2sf)  }
0x55: {  	s30 =	spop (v2sf)  }
0x56: {  	p0 =	seq.s32 s17, s2;
	p1 =	seq.s32 s30, s17  }
0x57: {  	p1 =	por p0, p1  }
0x58: {  	v4 =	vpsel p1, $0xFFFFFFFF, v4  }
0x59: {  	[tilespmem:s18+$0x0] =	vst.msk $0x1, v4  }
0x5a: {  	v4 =	vld [tilespmem:$0x30]  }
0x5b: {  	v5 =	vld [tilespmem:$0x1500]  }
0x5c: {  	v6 =	vld [tilespmem:$0x40];
	_ =	sdelay $0x3  }
0x5d: {  	vm4 =	vmmov vm1;
	vm6 =	vmmov vm2;
	vm5 =	vgt.s32 v4, v5  }
0x5e: {  	s3 =	simm.s32 $0x1500;
	vm4 =	vmmov @p0 vm2;
	v5 =	vsel vm5, v4, v5;
	vm5 =	vgt.s32 v4, v6  }
0x5f: {  	vm6 =	vmmov @p1 vm1;
	v4 =	vsel vm5, v4, v6;
	[tilespmem:s3+$0x0] =	vst.msk vm4, v5  }
0x60: {  	[tilespmem:s19+$0x0] =	vst.msk vm6, v4  }
0x61: {  	v4 =	vld [tilespmem:$0x10F0];
	_ =	sdelay $0x4  }
0x62: {  	v4 =	vshift.insert v4, v1, s20;
	_ =	sdelay $0x1  }
0x63: {  	v5 =	vimm.s32 $0x80000000;
	[tilespmem:s21+$0x0] =	vst.msk $0x1, v4  }
0x64: {  	[tilespmem:s22+$0x0] =	vst.msk $0x1, v5  }
0x65: {  	v4 =	vld [tilespmem:$0x4F0];
	_ =	sdelay $0x4  }
0x66: {  	v4 =	vshift.insert v4, v1, s20;
	_ =	sdelay $0x1  }
0x67: {  	[tilespmem:s23+$0x0] =	vst.msk $0x1, v4  }
0x68: {  	v6 =	vld [tilespmem:s3+$0x0]  }
0x69: {  	s16 =	simm.s32 $0x100  }
0x6a: {  	v7 =	vld [tilespmem:s16+$0x0];
	_ =	sdelay $0x2  }
0x6b: {  	vm4 =	vgt.s32 v6, v5  }
0x6c: {  	v5 =	vsel vm4, v6, v5  }
0x6d: {  	vm4 =	vne.s32 v7, $0xFFFFFFFF;
	v5 =	vxor.u32 $0x80000000, v5  }
0x6e: {  	(xrf0) =	vmax.seg.scan.u32 vm4, v5  }
0x6f: {  	s17 =	simm.s32 $0xD00  }
0x70: {  	v8 =	vld [tilespmem:s17+$0x0]  }
0x71: {  	v6 =	vld [tilespmem:$0xA0];
	_ =	sdelay $0x2  }
0x72: {  	v5 =	vperm.xlane v4, v1;
	v9, _, _ =	vpop (xrf0)  }
0x73: {  	vm6 =	veq.s32 v7, v3;
	v9 =	vxor.u32 $0x80000000, v9  }
0x74: {  	vm8 =	veq.s32 v7, v5;
	vm5 =	veq.s32 v6, $0x1;
	vm7 =	vgt.s32 v9, v8  }
0x75: {  	vm8 =	vmor vm8, vm6;
	v6 =	vsel vm7, v9, v8;
	vm7 =	vgt.u32 v7, $0xFFFFFFFD  }
0x76: {  	v10 =	vld [tilespmem:$0x90];
	vm9 =	vmand vm4, vm3;
	vm4 =	vmor vm5, vm6;
	vm5 =	vmor vm8, vm7  }
0x77: {  	v8 =	vsel vm5, $0xFFFFFFFF, v7;
	_ =	sdelay $0x1  }
0x78: {  	s31 =	simm.s32 $0x1D00  }
0x79: {  	s0 =	simm.s32 $0x0;
	s2 =	simm.s32 $0x1510;
	s3 =	simm.s32 $0x110;
	v11 =	vsel vm9, $0x80000000, v9;
	v6 =	vsel vm6, v9, v6  }
0x7a: {  	s16 =	simm.s32 $0x1D10;
	s17 =	simm.s32 $0xD10;
	[tilespmem:s31+$0x0] =	vst v6;
	v6 =	vsel vm6, v9, v10;
	v7 =	vshift.insert v11, v0, s20;
	(ifvalue) =	ssetifvalue $0xFFFFFFFF  }
.LBB2_9:
0x7b: {  	[hbm4b:s1+s14] =	stream.indirect_vreg.scatter [tilespmem:s31], [sflag:$0x2], $0x1, v8, vm0, $0x4038;
	[tilespmem:$0x2520] =	vst v63  }
0x7c: {  	s0 =	sadd.s32 $0x10, s0;
	s31 =	smov.u32 s16;
	v8 =	vld [tilespmem:s2+$0x0]  }
0x7d: {  	p0 =	slt.u32 s0, $0x3F0  }
0x7e: {  	v9 =	vld [tilespmem:s3+$0x0];
	_ =	sdelay $0x2  }
0x7f: {  	vm5 =	vgt.s32 v8, v7  }
0x80: {  	v7 =	vsel vm5, v8, v7  }
0x81: {  	vm5 =	vne.s32 v9, $0xFFFFFFFF;
	v7 =	vxor.u32 $0x80000000, v7  }
0x82: {  	(xrf0) =	vmax.seg.scan.u32 vm5, v7;
	_ =	sdelay $0x2  }
0x83: {  	v7 =	vld [tilespmem:s17+$0x0];
	_ =	sdelay $0x1  }
0x84: {  	vm6 =	veq.s32 v9, v3;
	vm7 =	veq.s32 v9, v5  }
0x85: {  	vm8 =	vgt.u32 v9, $0xFFFFFFFD;
	vm4 =	vmor vm4, vm6;
	vm7 =	vmor vm7, vm6;
	v8, _, _ =	vpop (xrf0)  }
0x86: {  	vm5 =	vmand vm5, vm3;
	vm7 =	vmor vm7, vm8;
	v10 =	vxor.u32 $0x80000000, v8  }
.Ltmp7:
0x87: {  	v8 =	vsel vm7, $0xFFFFFFFF, v9;
	vm7 =	vgt.s32 v10, v7;
	v9 =	vsel vm5, $0x80000000, v10;
	(pc) =	sbr.rel @p0 .LBB2_9-.Ltmp7, $4  }
0x88: {  	v6 =	vsel vm6, v10, v6;
	v11 =	vsel vm7, v10, v7;
	v7 =	vshift.insert v9, v0, s20  }
0x89: {  	v9 =	vsel vm6, v10, v11  }
0x8a: {  	s2 =	sadd.s32 $0x10, s2;
	s3 =	sadd.s32 $0x10, s3;
	[tilespmem:s16+$0x0] =	vst v9  }
0x8b: {  	s17 =	sadd.s32 $0x10, s17;
	s16 =	sadd.s32 $0x10, s16;
	(ifvalue) =	ssetifvalue $0xFFFFFFFF  }
0x8c: {  	_ =	sdelay $0x3  }
0x8d: {  	[hbm4b:s1+s14] =	stream.indirect_vreg.scatter [tilespmem:s31], [sflag:$0x2], $0x1, v8, vm0, $0x4038;
	[tilespmem:$0x2520] =	vst v63  }
0x8e: {  	v3 =	vld [tilespmem:$0x20F0];
	_ =	sdelay $0x4  }
0x8f: {  	v3 =	vshift.insert v3, v1, s20;
	_ =	sdelay $0x1  }
0x90: {  	[tilespmem:s24+$0x0] =	vst.msk $0x1, v3  }
0x91: {  	v3 =	vsel vm4, $0x1, v1;
	[tilespmem:$0x90] =	vst v6  }
0x92: {  	[tilespmem:$0xA0] =	vst v3  }
0x93: {  	[spmem:s12] =	stream.linear.scatter [tilespmem:s25], [sflag:$0x1], $0x1, $0x38;
	[tilespmem:$0x2520] =	vst v63  }
0x94: {  	v3 =	vmctz.xlane vm4;
	_ =	swait.ge [sflag:s4], $0x1  }
0x95: {  	(v2sf) =	vpush v4, $0x0  }
0x96: {  	(v2sf) =	vpush v3, $0x0;
	_ =	sdelay $0xd  }
0x97: {  	s0 =	spop (v2sf)  }
0x98: {  	s2 =	spop (v2sf)  }
0x99: {  	[sflag:s4] =	ssyncset.done $0x0;
	p0 =	sne.s32 s30, s0;
	p1 =	slt.s32 s2, $0xF  }
0x9a: {  	[sflag:s4] =	ssyncadd.s32 $0xFFFFFFFF;
	v3 =	vimm.s32 @!p0 $0xFFFFFFFF;
	s2 =	simm.s32 @!p1 $0xF  }
0x9b: {  	[tilespmem:$0x80] =	vst @!p0 v3;
	s31 =	sadd.s32 $0x90, s2  }
0x9c: {  	[spmem:s10] =	stream.linear.scatter [tilespmem:s31], [sflag:$0x1], $0x1, $0x38;
	[tilespmem:$0x2520] =	vst v63  }
0x9d: {  	_ =	swait.ge [sflag:s4], $0x1  }
0x9e: {  	[sflag:s4] =	ssyncset.done $0x0  }
0x9f: {  	[sflag:s4] =	ssyncadd.s32 $0xFFFFFFFF  }
0xa0: {  	[spmem:s13] =	stream.linear.scatter [tilespmem:s26], [sflag:$0x1], $0x1, $0x38;
	[tilespmem:$0x2520] =	vst v63  }
0xa1: {  	_ =	swait.ge [sflag:s4], $0x1  }
0xa2: {  	[sflag:s4] =	ssyncset.done $0x0  }
0xa3: {  	[sflag:s4] =	ssyncadd.s32 $0xFFFFFFFF;
	(ifvalue) =	ssetifvalue $0xFFFFFFFF;
	v3 =	vld [tilespmem:$0x10];
	_ =	sdelay $0x3  }
.Ltmp8:
0xa4: {  	_ = 	snop;
	(pc) =	sbr.rel .LBB2_4-.Ltmp8, $3  }
0xa5: {  	_ =	sdelay $0x1  }
0xa6: {  	(ifvalue) =	ssetifvalue $0xFFFFFFFF  }
0xa7: {  	[hbm4b:s1+s14] =	stream.indirect_vreg.scatter [tilespmem:s19], [sflag:$0x9], $0x1, v3, vm0, $0x4038;
	[tilespmem:$0x2520] =	vst v63  }
.LBB2_12:
0xa8: {  	s0 =	simm.s32 $0x2  }
0xa9: {  	_ =	swait.ge [sflag:s0], $0x400  }
0xaa: {  	[sflag:s0] =	ssyncset.done $0x0  }
0xab: {  	s31 =	simm.s32 $0x9;
	[sflag:s0] =	ssyncadd.s32 $0xFFFFFC00  }
0xac: {  	_ =	swait.ge [sflag:s31], $0x10  }
0xad: {  	[sflag:s31] =	ssyncset.done $0x0  }
0xae: {  	[sflag:s31] =	ssyncadd.s32 $0xFFFFFFF0  }
.LBB2_13:
0xaf: {  	_ =	sfence.sel $0x180000  }
0xb0: {  	s0 =	simm.s32 $0x7;
	[bflag:$0x0] =	sbarrier.arrive $0xFFFF  }
0xb1: {  	s26 =	simm.s32 $0x8;
	[sflag:s0] =	ssyncpa.u1 $0x1  }
0xb2: {  	s28 =	simm.s32 $0x9;
	[sflag:s26] =	ssyncpa.u1 $0x1  }
0xb3: {  	[sflag:s28] =	ssyncpa.u1 $0x1  }
0xb4: {  	_ =	sfence.stream.spmem  }
0xb5: {  	s29 =	simm.s32 $0x3;
	[bflag:$0x0] =	sbarrier.arrive $0xFFFF  }
0xb6: {  	s30 =	simm.s32 $0x4;
	[sflag:s29] =	ssyncpa.u1 $0x1  }
0xb7: {  	s31 =	simm.s32 $0x3C;
	s2 =	stileid.u32;
	[sflag:s30] =	ssyncpa.u1 $0x1  }
0xb8: {  	p0 =	sne.s32 s2, $0x0;
	[sflag:s31] =	ssyncpa.u1 $0x1  }
0xb9: {  	s0 =	simm.s32 @p0 $0x1;
	_ =	sfence @p0  }
0xba: {  	[sflag:s0] =	ssyncpa.u1 @p0 $0x1;
	s0 =	simm.s32 @p0 $0x2  }
0xbb: {  	[sflag:s0] =	ssyncpa.u1 @p0 $0x1  }
0xbc: {  	_ =	strace @p0 $0x90000047  }
0xbd: {  	[bflag:$0x2] =	sbarrier.arrive @p0 $0xFFFF  }
0xbe: {  	_ =	shalt @p0  }
.LBB2_14:
0xbf: {  	_ =	sfence.stream.spmem;
	s0 =	simm.s32 $0x5  }
0xc0: {  	s2 =	simm.s32 $0x80;
	s3 =	simm.s32 $0xC0;
	[sflag:s0] =	ssyncpa.u1 $0x0  }
0xc1: {  	[tilespmem:s3], [sflag:$0x5] =	stream.linear.gather [spmem:s2], $0x20, $0x38;
	[tilespmem:$0x2520] =	vst v63  }
0xc2: {  	s30 =	simm.s32 $0xE0;
	s2 =	simm.s32 $0x0  }
0xc3: {  	[tilespmem:s30], [sflag:$0x5] =	stream.linear.gather [spmem:s2], $0x20, $0x38;
	[tilespmem:$0x2520] =	vst v63  }
.Ltmp9:
0xc4: {  	_ = 	snop;
	(pc) =	sbr.rel .LBB2_15-.Ltmp9, $4  }
0xc5: {  	_ =	swait.ge [sflag:s0], $0x40  }
0xc6: {  	[sflag:s0] =	ssyncset.done $0x0  }
0xc7: {  	s31 =	simm.s32 $0x6;
	[sflag:s0] =	ssyncadd.s32 $0xFFFFFFC0  }
0xc8: {  	s3 =	simm.s32 $0x0;
	[sflag:s31] =	ssyncpa.u1 $0x0  }
.LBB2_20:
0xc9: {  	p0 =	sgt.u32 s4, $0x7FF  }
0xca: {  	s0 =	sshrl.u32 @!p0 s4, $0x3  }
0xcb: {  	s4 =	sand.u32 @!p0 $0x7, s4;
	s5 =	simm.s32 @!p0 $0xB0;
	s0 =	sadd.s32 @!p0 s1, s0  }
0xcc: {  	[tilespmem:s5], [sflag:$0x6] =	stream.linear.gather @!p0 [hbm4b:s0+s4], $0x1, $0x38;
	[tilespmem:$0x2520] =	vst v63  }
0xcd: {  	s0 =	simm.s32 @!p0 $0x6  }
0xce: {  	_ =	swait.ge @!p0 [sflag:s0], $0x1  }
0xcf: {  	[sflag:s0] =	ssyncset.done @!p0 $0x0  }
0xd0: {  	[sflag:s0] =	ssyncadd.s32 @!p0 $0xFFFFFFFF  }
0xd1: {  	v1 =	vld.msk @!p0 [tilespmem:$0xB0], $0x1  }
0xd2: {  	v2 =	vld.msk @!p0 [tilespmem:s3+$0xE0], $0x1;
	_ =	sdelay $0x4  }
0xd3: {  	vm0 =	vgt.s32 @!p0 v2, v1  }
0xd4: {  	v1 =	vsel @!p0 vm0, v2, v1  }
0xd5: {  	[tilespmem:s3+$0xE0] =	vst.msk @!p0 $0x1, v1  }
0xd6: {  	[tilespmem:s2+$0xC0] =	vst.msk $0x1, v0  }
0xd7: {  	v0 =	vld.msk [tilespmem:s3+$0xE0], $0x1;
	_ =	sdelay $0x4  }
0xd8: {  	[tilespmem:s2+$0xE0] =	vst.msk $0x1, v0;
	s2 =	sadd.s32 $0x1, s2  }
.LBB2_22:
0xd9: {  	s3 =	sadd.s32 $0x1, s3  }
0xda: {  	p0 =	sne.s32 s3, $0x20  }
.Ltmp10:
0xdb: {  	_ = 	snop;
	(pc) =	sbr.rel @!p0 .LBB2_23-.Ltmp10, $1  }
0xdc: {  	_ =	sdelay $0x3  }
.LBB2_15:
0xdd: {  	v0 =	vld.msk [tilespmem:s3+$0xC0], $0x1;
	_ =	sdelay $0x4  }
0xde: {  	(v2sf) =	vpush v0, $0x0;
	_ =	sdelay $0xe  }
0xdf: {  	s4 =	spop (v2sf)  }
0xe0: {  	p0 =	seq.s32 s4, $0xFFFFFFFF  }
.Ltmp11:
0xe1: {  	_ = 	snop;
	(pc) =	sbr.rel @p0 .LBB2_22-.Ltmp11, $1  }
0xe2: {  	_ =	sdelay $0x3  }
0xe3: {  	p0 =	slt.s32 s2, $0x1  }
.Ltmp12:
0xe4: {  	_ = 	snop;
	(pc) =	sbr.rel @p0 .LBB2_20-.Ltmp12, $1  }
0xe5: {  	_ =	sdelay $0x3  }
0xe6: {  	s0 =	simm.s32 $0xC0;
	p0 =	por $0x0, $0x0  }
0xe7: {  	v1 =	vld.msk @!p0 [tilespmem:s0+$0x0], $0x1;
	_ =	sdelay $0x4  }
0xe8: {  	(v2sf) =	vpush @!p0 v1, $0x0;
	_ =	sdelay $0xd  }
0xe9: {  	p2 =	sne.s32 s2, $0x1  }
.Ltmp13:
0xea: {  	s5 =	spop @!p0 (v2sf);
	(pc) =	sbr.rel @!p2 .LBB2_19-.Ltmp13, $4  }
0xeb: {  	p1 =	seq.s32 @!p0 s4, s5  }
0xec: {  	s5 =	simm.s32 $0x0;
	p1 =	por !p1, p0  }
0xed: {  	s7 =	simm.s32 $0xFFFFFFFF;
	s5 =	simm.s32 @p1 $0xFFFFFFFF  }
0xee: {  	s6 =	simm.s32 $0x1;
	s5 =	smov.u32 @p0 s7  }
.LBB2_18:
0xef: {  	s7 =	smov.u32 s5;
	p0 =	sne.s32 s5, $0xFFFFFFFF  }
0xf0: {  	s0 =	sadd.s32 $0x1, s0;
	s5 =	smov.u32 s6;
	s6 =	sadd.s32 $0x1, s6  }
0xf1: {  	p1 =	sne.s32 s2, s6;
	v1 =	vld.msk @!p0 [tilespmem:s0+$0x0], $0x1;
	_ =	sdelay $0x4  }
0xf2: {  	(v2sf) =	vpush @!p0 v1, $0x0;
	_ =	sdelay $0xe  }
.Ltmp14:
0xf3: {  	s8 =	spop @!p0 (v2sf);
	(pc) =	sbr.rel @p1 .LBB2_18-.Ltmp14, $4  }
0xf4: {  	p2 =	seq.s32 @!p0 s4, s8  }
0xf5: {  	p2 =	por !p2, p0  }
0xf6: {  	s5 =	simm.s32 @p2 $0xFFFFFFFF  }
0xf7: {  	s5 =	smov.u32 @p0 s7  }
.LBB2_19:
0xf8: {  	p0 =	sne.s32 s5, $0xFFFFFFFF  }
.Ltmp15:
0xf9: {  	_ = 	snop;
	(pc) =	sbr.rel @!p0 .LBB2_20-.Ltmp15, $1  }
0xfa: {  	_ =	sdelay $0x3  }
0xfb: {  	v0 =	vld.msk [tilespmem:s3+$0xE0], $0x1  }
0xfc: {  	v1 =	vld.msk [tilespmem:s5+$0xE0], $0x1;
	_ =	sdelay $0x2  }
.Ltmp16:
0xfd: {  	_ = 	snop;
	(pc) =	sbr.rel .LBB2_22-.Ltmp16, $4  }
0xfe: {  	_ = 	snop  }
0xff: {  	vm0 =	vgt.s32 v1, v0  }
0x100: {  	v0 =	vsel vm0, v1, v0  }
0x101: {  	[tilespmem:s5+$0xE0] =	vst.msk $0x1, v0  }
.LBB2_23:
0x102: {  	p0 =	slt.s32 s2, $0x1  }
.Ltmp17:
0x103: {  	_ = 	snop;
	(pc) =	sbr.rel @p0 .LBB2_27-.Ltmp17, $3  }
0x104: {  	_ =	sdelay $0x1  }
0x105: {  	s0 =	simm.s32 $0x6  }
0x106: {  	[sflag:s0] =	ssyncpa.u1 $0x1;
	s0 =	simm.s32 $0x0  }
0x107: {  	s3 =	simm.s32 $0xC0  }
0x108: {  	v0 =	vld.msk [tilespmem:s3+$0x0], $0x1;
	_ =	sdelay $0x4  }
0x109: {  	(v2sf) =	vpush v0, $0x0;
	_ =	sdelay $0xe  }
0x10a: {  	s2 =	sadd.s32 $0xFFFFFFFF, s2;
	s4 =	spop (v2sf)  }
0x10b: {  	p1 =	sne.s32 s2, $0x0;
	p0 =	sgt.u32 s4, $0x7FF  }
.Ltmp18:
0x10c: {  	s5 =	sshrl.u32 @!p0 s4, $0x3;
	(pc) =	sbr.rel @!p1 .LBB2_26-.Ltmp18, $4  }
0x10d: {  	s3 =	simm.s32 $0xE0;
	s4 =	sand.u32 @!p0 $0x7, s4;
	s5 =	sadd.s32 @!p0 s1, s5  }
0x10e: {  	[hbm4b:s5+s4] =	stream.linear.scatter @!p0 [tilespmem:s3], [sflag:$0x5], $0x1, $0x38;
	[tilespmem:$0x2520] =	vst v63  }
0x10f: {  	s5 =	simm.s32 $0x0  }
0x110: {  	s4 =	simm.s32 $0xC1;
	s5 =	simm.s32 @!p0 $0x4  }
.LBB2_25:
0x111: {  	v0 =	vld.msk [tilespmem:s4+$0x0], $0x1;
	s2 =	sadd.s32 $0xFFFFFFFF, s2;
	s0 =	sadd.s32 s0, s5  }
0x112: {  	p0 =	sne.s32 s2, $0x0;
	_ =	sdelay $0x3  }
0x113: {  	(v2sf) =	vpush v0, $0x0;
	_ =	sdelay $0xe  }
.Ltmp19:
0x114: {  	s6 =	spop (v2sf);
	(pc) =	sbr.rel @p0 .LBB2_25-.Ltmp19, $4  }
0x115: {  	s5 =	simm.s32 $0x0;
	p1 =	sgt.u32 s6, $0x7FF  }
0x116: {  	s3 =	sadd.s32 $0x1, s3;
	s5 =	simm.s32 @!p1 $0x4;
	s7 =	sshrl.u32 @!p1 s6, $0x3  }
0x117: {  	s4 =	sadd.s32 $0x1, s4;
	s6 =	sand.u32 @!p1 $0x7, s6;
	s7 =	sadd.s32 @!p1 s1, s7  }
0x118: {  	[hbm4b:s7+s6] =	stream.linear.scatter @!p1 [tilespmem:s3], [sflag:$0x5], $0x1, $0x38;
	[tilespmem:$0x2520] =	vst v63  }
.LBB2_26:
0x119: {  	s0 =	sadd.s32 s0, s5  }
0x11a: {  	s0 =	sshrl.u32 s0, $0x2  }
.LBB2_27:
0x11b: {  	s1 =	simm.s32 $0x5  }
0x11c: {  	_ =	swait.ge [sflag:s1], s0  }
0x11d: {  	s28 =	ssub.s32 $0x0, s0;
	[sflag:s1] =	ssyncset.done $0x0  }
0x11e: {  	[sflag:s1] =	ssyncadd.s32 s28  }
0x11f: {  	[sflag:s1] =	ssyncpa.u1 $0x1  }
0x120: {  	s29 =	simm.s32 $0x1;
	_ =	sfence  }
0x121: {  	s30 =	simm.s32 $0x2;
	[sflag:s29] =	ssyncpa.u1 $0x1  }
0x122: {  	[sflag:s30] =	ssyncpa.u1 $0x1  }
0x123: {  	_ =	strace $0x90000047  }
0x124: {  	[bflag:$0x2] =	sbarrier.arrive $0xFFFF  }
0x125: {  	s31 =	rddreg [dreg:$0x2]  }
0x126: {  	s0 =	sadd.s32 $0x100000, s31  }
0x127: {  	[sflag:s0] =	ssyncadd.tile.s32 $0x1;
	_ =	shalt  }
.Lfunc_end2:
_tile_overlayer_lowered:
.L_overlay_start_2:
0x128: {  	(tag) =	ssettag $0x2  }
0x129: {  	s0 =	rddreg [dreg:$0x0];
	s2 =	stileid.u32  }
0x12a: {  	s1 =	rddreg [dreg:$0x1];
	p0 =	sne.s32 s2, $0x0  }
0x12b: {  	s3 =	rddreg [dreg:$0x2];
	[bflag:$0x3] =	sbarrier.arrive $0xFFFF;
	s2 =	simm.s32 @!p0 $0x1C01  }
0x12c: {  	[timem:s3], [sflag:s2] =	dma.local @!p0 [hbm:s0], s1  }
0x12d: {  	s0 =	simm.s32 @!p0 $0x1  }
0x12e: {  	_ =	swait.ge @!p0 [sflag:s0], s1  }
0x12f: {  	s1 =	ssub.s32 @!p0 $0x0, s1;
	[sflag:s0] =	ssyncset.done @!p0 $0x0  }
0x130: {  	[sflag:s0] =	ssyncadd.s32 @!p0 s1  }
0x131: {  	[bflag:$0x3] =	sbarrier.arrive $0xFFFF  }
0x132: {  	_ =	shalt  }

</sc_bundles>
